<compile_context>
chip_gen: v7x
topology: tpu7x:2x2x1
jax: 0.10.2.dev20260603
libtpu: 0.0.44.dev20260713+nightly
codegen_flags: <defaults>
</compile_context>

<pallas_src>
import functools

import jax
import jax.numpy as jnp
from jax import lax
from jax.experimental import pallas as pl
from jax.experimental.pallas import tpu as pltpu
from jax.experimental.pallas import tpu_sc as plsc

_B = 16384
_K = 1024
_D = 256
_H = 512
_P = 784

_BS = 1024
_BT = _BS // 128


def _dotT(w, x):
    return lax.dot_general(w, x, (((0,), (0,)), ((), ())),
                           preferred_element_type=jnp.float32)


def _transpose_body(x_ref, out_ref):
    out_ref[...] = x_ref[...].reshape(_P, _BS).T


def _transpose_in(xt4):
    grid = _B // _BS
    return pl.pallas_call(
        _transpose_body,
        grid=(grid,),
        in_specs=[pl.BlockSpec((98, 8, _BT, 128), lambda i: (0, 0, i, 0))],
        out_specs=pl.BlockSpec((_BS, _P), lambda i: (i, 0)),
        out_shape=jax.ShapeDtypeStruct((_B, _P), jnp.float32),
        compiler_params=pltpu.CompilerParams(
            dimension_semantics=("arbitrary",)),
    )(xt4)


def _encoder_body(x_ref, w1_ref, b1_ref, w2_ref, b2_ref,
                  ze_ref):
    h = jnp.maximum(
        jnp.dot(x_ref[...], w1_ref[...], preferred_element_type=jnp.float32)
        + b1_ref[...], 0.0)
    z_e = (jnp.dot(h, w2_ref[...], preferred_element_type=jnp.float32)
           + b2_ref[...])
    ze_ref[...] = z_e


def _argmin_body(ze_ref, cb_ref, inds_ref):
    zt = ze_ref[...].T
    cb = cb_ref[...]
    p_t = lax.dot_general(cb, zt, (((1,), (0,)), ((), ())),
                          preferred_element_type=jnp.float32)
    d2 = ((jnp.sum(zt * zt, axis=0)[None, :]
           + jnp.sum(cb * cb, axis=1)[:, None])
          - p_t * 2.0)
    dist = jnp.sqrt(jnp.maximum(0.0, d2))
    m = jnp.min(dist, axis=0)[None, :]
    iota = lax.broadcasted_iota(jnp.int32, dist.shape, 0)
    inds_ref[...] = jnp.min(jnp.where(dist <= m, iota, _K), axis=0)


def _argmin(z_e, codebook):
    grid = _B // _BS
    return pl.pallas_call(
        _argmin_body,
        grid=(grid,),
        in_specs=[
            pl.BlockSpec((_BS, _D), lambda i: (i, 0)),
            _full((_K, _D)),
        ],
        out_specs=pl.BlockSpec((_BS,), lambda i: (i,)),
        out_shape=jax.ShapeDtypeStruct((_B,), jnp.int32),
        compiler_params=pltpu.CompilerParams(
            dimension_semantics=("arbitrary",)),
    )(z_e, codebook)


def _decoder_body(inds_ref, cb_ref, w3_ref, b3_ref, w4t_ref, b4_ref, out_ref):
    onehot = jnp.where(
        lax.broadcasted_iota(jnp.int32, (_K, _BS), 0) == inds_ref[...][None, :],
        1.0, 0.0)
    z_q = _dotT(cb_ref[...], onehot)
    g = jnp.maximum(_dotT(w3_ref[...], z_q) + b3_ref[...][:, None], 0.0)
    y = jax.nn.sigmoid(
        jnp.dot(w4t_ref[...], g, preferred_element_type=jnp.float32)
        + b4_ref[...][:, None])
    out_ref[...] = y.reshape(28, 28, _BT, 128)


def _full(shape):
    return pl.BlockSpec(shape, lambda i: (0,) * len(shape))


def _encoder(xf, W1, b1, W2, b2):
    grid = _B // _BS
    return pl.pallas_call(
        _encoder_body,
        grid=(grid,),
        in_specs=[
            pl.BlockSpec((_BS, _P), lambda i: (i, 0)),
            _full((_P, _H)), _full((_H,)),
            _full((_H, _D)), _full((_D,)),
        ],
        out_specs=pl.BlockSpec((_BS, _D), lambda i: (i, 0)),
        out_shape=jax.ShapeDtypeStruct((_B, _D), jnp.float32),
        compiler_params=pltpu.CompilerParams(
            dimension_semantics=("arbitrary",)),
    )(xf, W1, b1, W2, b2)


def _decoder(inds, codebook, W3, b3, W4t, b4):
    grid = _B // _BS
    return pl.pallas_call(
        _decoder_body,
        grid=(grid,),
        in_specs=[
            pl.BlockSpec((_BS,), lambda i: (i,)),
            _full((_K, _D)),
            _full((_D, _H)), _full((_H,)),
            _full((_P, _H)), _full((_P,)),
        ],
        out_specs=pl.BlockSpec((28, 28, _BT, 128), lambda i: (0, 0, i, 0)),
        out_shape=jax.ShapeDtypeStruct((28, 28, 128, 128), jnp.float32),
        compiler_params=pltpu.CompilerParams(
            dimension_semantics=("arbitrary",)),
    )(inds, codebook, W3, b3, W4t, b4)


_SC_INFO = plsc.get_sparse_core_info()
_NC = _SC_INFO.num_cores
_NS = _SC_INFO.num_subcores
_NW = _NC * _NS
_BPW = _B // _NW
_CHUNK = 128
_NCH = _BPW // _CHUNK


@functools.partial(
    pl.kernel,
    mesh=plsc.VectorSubcoreMesh(core_axis_name="c", subcore_axis_name="s"),
    out_type=jax.ShapeDtypeStruct((_B, _D), jnp.float32),
    scratch_types=[
        pltpu.VMEM((_BPW,), jnp.int32),
        pltpu.VMEM((2, _CHUNK, _D), jnp.float32),
        pltpu.SemaphoreType.DMA,
        pltpu.SemaphoreType.DMA,
        pltpu.SemaphoreType.DMA,
        pltpu.SemaphoreType.DMA,
        pltpu.SemaphoreType.DMA,
    ],
)
def _sc_gather(cb_hbm, idx_hbm, out_hbm, idx_v, rows_v,
               isem, gsem0, gsem1, osem0, osem1):
    sid = lax.axis_index("s")
    wid = sid * _NC + lax.axis_index("c")
    base = wid * _BPW
    pltpu.async_copy(idx_hbm.at[pl.ds(base, _BPW)], idx_v, isem).wait()

    gsem = (gsem0, gsem1)
    osem = (osem0, osem1)

    def _gather(c):
        return pltpu.async_copy(
            cb_hbm.at[idx_v.at[pl.ds(c * _CHUNK, _CHUNK)]],
            rows_v.at[c % 2], gsem[c % 2])

    def _writeback(c):
        return pltpu.async_copy(
            rows_v.at[c % 2], out_hbm.at[pl.ds(base + c * _CHUNK, _CHUNK)],
            osem[c % 2])

    g0 = _gather(0)
    g1 = _gather(1)
    g0.wait()
    o0 = _writeback(0)
    g1.wait()
    o1 = _writeback(1)
    o0.wait()
    g2 = _gather(2)
    o1.wait()
    g3 = _gather(3)
    g2.wait()
    o2 = _writeback(2)
    g3.wait()
    o3 = _writeback(3)
    o2.wait()
    o3.wait()


def kernel(x, W1, b1, W2, b2, codebook, W3, b3, W4, b4):
    xt4 = x.transpose(2, 3, 1, 0).reshape(98, 8, 128, 128)
    xf = _transpose_in(xt4)
    z_e = _encoder(xf, W1, b1, W2, b2)
    inds = _argmin(z_e, codebook)
    z_q = _sc_gather(codebook, inds)
    y4 = _decoder(inds, codebook, W3, b3, W4.T, b4)
    x_hat = y4.transpose(2, 3, 0, 1).reshape(_B, 1, 28, 28)
    return x_hat, z_e, z_q, inds

# --- scband reference (transcript-rebuilt; emitter-appended) ---
"""Pipeline reference for scband-vqvae-10608569221272 (READ-ONLY COPY).

The authoritative reference and input builder live on the scoring server;
editing this copy changes nothing except your own understanding.
"""

import jax, jax.numpy as jnp
import numpy as np

B = 16384
K = 1024
D = 256

def setup_inputs(seed: int = 0) -> dict:
    key = jax.random.key(seed)
    ks = jax.random.split(key, 10)
    x = jax.random.uniform(ks[0], (B, 1, 28, 28), dtype=jnp.float32)
    W1 = jax.random.normal(ks[1], (784, 512), dtype=jnp.float32) * 0.02
    b1 = jnp.zeros((512,), dtype=jnp.float32)
    W2 = jax.random.normal(ks[2], (512, D), dtype=jnp.float32) * 0.02
    b2 = jnp.zeros((D,), dtype=jnp.float32)
    codebook = jax.random.uniform(ks[3], (K, D), dtype=jnp.float32, minval=-1.0 / K, maxval=1.0 / K)
    W3 = jax.random.normal(ks[4], (D, 512), dtype=jnp.float32) * 0.02
    b3 = jnp.zeros((512,), dtype=jnp.float32)
    W4 = jax.random.normal(ks[5], (512, 784), dtype=jnp.float32) * 0.02
    b4 = jnp.zeros((784,), dtype=jnp.float32)
    return {"x": x, "W1": W1, "b1": b1, "W2": W2, "b2": b2,
            "codebook": codebook, "W3": W3, "b3": b3, "W4": W4, "b4": b4}

def reference(x, W1, b1, W2, b2, codebook, W3, b3, W4, b4):
    # Encoder: Flatten -> Linear(784,512) -> ReLU -> Linear(512,D)
    h = jnp.maximum(x.reshape(-1, 784) @ W1 + b1, 0.0)
    z_e = h @ W2 + b2
    # VectorQuantizer: torch.cdist (Euclidean) then argmin over K, then embedding lookup
    d2 = (jnp.sum(z_e * z_e, axis=1, keepdims=True)
          + jnp.sum(codebook * codebook, axis=1)[None, :]
          - 2.0 * (z_e @ codebook.T))
    dist = jnp.sqrt(jnp.clip(d2, 0.0, None))
    encoding_inds = jnp.argmin(dist, axis=1)
    z_q = jnp.take(codebook, encoding_inds, axis=0)
    # Decoder: Linear(D,512) -> ReLU -> Linear(512,784) -> Sigmoid -> view
    g = jnp.maximum(z_q @ W3 + b3, 0.0)
    x_hat = jax.nn.sigmoid(g @ W4 + b4).reshape(-1, 1, 28, 28)
    return (x_hat, z_e, z_q, encoding_inds)

if __name__ == "__main__":
    import jax
    _d = setup_inputs()
    print(jax.jit(kernel)(*tuple(_d.values())))

</pallas_src>

<mosaic_0001>
#map = affine_map<(d0, d1) -> (0, 0)>
#map1 = affine_map<(d0, d1) -> (0)>
module attributes {stable_mosaic.version = 14 : i64} {
  func.func @_sc_gather(%arg0: i32, %arg1: i32, %arg2: memref<1024x256xf32, #tpu.memory_space<hbm>>, %arg3: memref<16384xi32, #tpu.memory_space<hbm>>, %arg4: memref<16384x256xf32, #tpu.memory_space<hbm>>, %arg5: memref<512xi32, #tpu.memory_space<vmem>>, %arg6: memref<2x128x256xf32, #tpu.memory_space<vmem>>, %arg7: memref<!tpu.dma_semaphore, #tpu.memory_space<semaphore_mem>>, %arg8: memref<!tpu.dma_semaphore, #tpu.memory_space<semaphore_mem>>, %arg9: memref<!tpu.dma_semaphore, #tpu.memory_space<semaphore_mem>>, %arg10: memref<!tpu.dma_semaphore, #tpu.memory_space<semaphore_mem>>, %arg11: memref<!tpu.dma_semaphore, #tpu.memory_space<semaphore_mem>>) attributes {dimension_semantics = [#tpu.dimension_semantics<core_parallel>, #tpu.dimension_semantics<subcore_parallel>], iteration_bounds = array<i64: 2, 16>, scalar_prefetch = 0 : i64, scratch_operands = 7 : i64, tpu.core_type = #tpu.core_type<sc_vector_subcore>, window_params = [{transform_indices = #map}, {transform_indices = #map1}, {transform_indices = #map}]} {
    %mul3A = arith.constant 2 : i32
    %mul3A_0 = arith.muli %arg1, %mul3A : i32
    %add3A = arith.addi %mul3A_0, %arg0 : i32
    %mul3A_1 = arith.constant 512 : i32
    %mul3A_2 = arith.muli %add3A, %mul3A_1 : i32
    %dma_start3A = tpu.memref_slice %arg3[%mul3A_2] : memref<16384xi32, #tpu.memory_space<hbm>> -> memref<512xi32, #tpu.memory_space<hbm>>
    %dma_start3A_3 = tpu.memref_slice %arg3[%mul3A_2] : memref<16384xi32, #tpu.memory_space<hbm>> -> memref<512xi32, #tpu.memory_space<hbm>>
    tpu.enqueue_dma source(%dma_start3A_3 : memref<512xi32, #tpu.memory_space<hbm>>) target(%arg5 : memref<512xi32, #tpu.memory_space<vmem>>) target_semaphore(%arg7 : memref<!tpu.dma_semaphore, #tpu.memory_space<semaphore_mem>>)
    %dma_wait3A = tpu.memref_slice %arg3[%mul3A_2] : memref<16384xi32, #tpu.memory_space<hbm>> -> memref<512xi32, #tpu.memory_space<hbm>>
    %dma_wait3A_4 = tpu.memref_slice %arg3[%mul3A_2] : memref<16384xi32, #tpu.memory_space<hbm>> -> memref<512xi32, #tpu.memory_space<hbm>>
    tpu.wait_dma2 semaphore(%arg7 : memref<!tpu.dma_semaphore, #tpu.memory_space<semaphore_mem>>) src(%dma_wait3A_4 : memref<512xi32, #tpu.memory_space<hbm>>) dst(%arg5 : memref<512xi32, #tpu.memory_space<vmem>>)
    %dma_start3A_5 = arith.constant 0 : i32
    %dma_start3A_6 = arith.constant 0 : i32
    %dma_start3A_7 = arith.constant 0 : i32
    %dma_start3A_8 = tpu.memref_slice %arg6[%dma_start3A_5, %dma_start3A_6, %dma_start3A_7] : memref<2x128x256xf32, #tpu.memory_space<vmem>> -> memref<1x128x256xf32, #tpu.memory_space<vmem>>
    %dma_start3A_9 = tpu.memref_squeeze %dma_start3A_8 : memref<1x128x256xf32, #tpu.memory_space<vmem>> -> memref<128x256xf32, #tpu.memory_space<vmem>>
    %dma_start3A_10 = arith.constant 0 : i32
    %dma_start3A_11 = tpu.memref_slice %arg5[%dma_start3A_10] : memref<512xi32, #tpu.memory_space<vmem>> -> memref<128xi32, #tpu.memory_space<vmem>>
    %dma_start3A_12 = arith.constant 0 : i32
    %dma_start3A_13 = arith.constant 0 : i32
    %dma_start3A_14 = tpu.memref_slice %arg2[%dma_start3A_12, %dma_start3A_13] : memref<1024x256xf32, #tpu.memory_space<hbm>> -> memref<1024x256xf32, #tpu.memory_space<hbm>>
    tpu.enqueue_indirect_dma source(%dma_start3A_14 : memref<1024x256xf32, #tpu.memory_space<hbm>>) target(%dma_start3A_9 : memref<128x256xf32, #tpu.memory_space<vmem>>) offsets(%dma_start3A_11 : memref<128xi32, #tpu.memory_space<vmem>>) semaphore(%arg8 : memref<!tpu.dma_semaphore, #tpu.memory_space<semaphore_mem>>)
    %dma_start3A_15 = arith.constant 1 : i32
    %dma_start3A_16 = arith.constant 0 : i32
    %dma_start3A_17 = arith.constant 0 : i32
    %dma_start3A_18 = tpu.memref_slice %arg6[%dma_start3A_15, %dma_start3A_16, %dma_start3A_17] : memref<2x128x256xf32, #tpu.memory_space<vmem>> -> memref<1x128x256xf32, #tpu.memory_space<vmem>>
    %dma_start3A_19 = tpu.memref_squeeze %dma_start3A_18 : memref<1x128x256xf32, #tpu.memory_space<vmem>> -> memref<128x256xf32, #tpu.memory_space<vmem>>
    %dma_start3A_20 = arith.constant 128 : i32
    %dma_start3A_21 = tpu.memref_slice %arg5[%dma_start3A_20] : memref<512xi32, #tpu.memory_space<vmem>> -> memref<128xi32, #tpu.memory_space<vmem>>
    %dma_start3A_22 = arith.constant 0 : i32
    %dma_start3A_23 = arith.constant 0 : i32
    %dma_start3A_24 = tpu.memref_slice %arg2[%dma_start3A_22, %dma_start3A_23] : memref<1024x256xf32, #tpu.memory_space<hbm>> -> memref<1024x256xf32, #tpu.memory_space<hbm>>
    tpu.enqueue_indirect_dma source(%dma_start3A_24 : memref<1024x256xf32, #tpu.memory_space<hbm>>) target(%dma_start3A_19 : memref<128x256xf32, #tpu.memory_space<vmem>>) offsets(%dma_start3A_21 : memref<128xi32, #tpu.memory_space<vmem>>) semaphore(%arg9 : memref<!tpu.dma_semaphore, #tpu.memory_space<semaphore_mem>>)
    %dma_wait3A_25 = arith.constant 0 : i32
    %dma_wait3A_26 = arith.constant 0 : i32
    %dma_wait3A_27 = arith.constant 0 : i32
    %dma_wait3A_28 = tpu.memref_slice %arg6[%dma_wait3A_25, %dma_wait3A_26, %dma_wait3A_27] : memref<2x128x256xf32, #tpu.memory_space<vmem>> -> memref<1x128x256xf32, #tpu.memory_space<vmem>>
    %dma_wait3A_29 = tpu.memref_squeeze %dma_wait3A_28 : memref<1x128x256xf32, #tpu.memory_space<vmem>> -> memref<128x256xf32, #tpu.memory_space<vmem>>
    %dma_wait3A_30 = arith.constant 0 : i32
    %dma_wait3A_31 = tpu.memref_slice %arg5[%dma_wait3A_30] : memref<512xi32, #tpu.memory_space<vmem>> -> memref<128xi32, #tpu.memory_space<vmem>>
    %dma_wait3A_32 = arith.constant 0 : i32
    %dma_wait3A_33 = arith.constant 0 : i32
    %dma_wait3A_34 = tpu.memref_slice %arg2[%dma_wait3A_32, %dma_wait3A_33] : memref<1024x256xf32, #tpu.memory_space<hbm>> -> memref<1024x256xf32, #tpu.memory_space<hbm>>
    tpu.wait_indirect_dma semaphore(%arg8 : memref<!tpu.dma_semaphore, #tpu.memory_space<semaphore_mem>>) src(%dma_wait3A_34 : memref<1024x256xf32, #tpu.memory_space<hbm>>) dst(%dma_wait3A_29 : memref<128x256xf32, #tpu.memory_space<vmem>>)
    %add3A_35 = arith.constant 0 : i32
    %add3A_36 = arith.addi %mul3A_2, %add3A_35 : i32
    %dma_start3A_37 = arith.constant 0 : i32
    %dma_start3A_38 = arith.constant 0 : i32
    %dma_start3A_39 = arith.constant 0 : i32
    %dma_start3A_40 = tpu.memref_slice %arg6[%dma_start3A_37, %dma_start3A_38, %dma_start3A_39] : memref<2x128x256xf32, #tpu.memory_space<vmem>> -> memref<1x128x256xf32, #tpu.memory_space<vmem>>
    %dma_start3A_41 = tpu.memref_squeeze %dma_start3A_40 : memref<1x128x256xf32, #tpu.memory_space<vmem>> -> memref<128x256xf32, #tpu.memory_space<vmem>>
    %dma_start3A_42 = arith.constant 0 : i32
    %dma_start3A_43 = tpu.memref_slice %arg4[%add3A_36, %dma_start3A_42] : memref<16384x256xf32, #tpu.memory_space<hbm>> -> memref<128x256xf32, #tpu.memory_space<hbm>>
    %dma_start3A_44 = arith.constant 0 : i32
    %dma_start3A_45 = tpu.memref_slice %arg4[%add3A_36, %dma_start3A_44] : memref<16384x256xf32, #tpu.memory_space<hbm>> -> memref<128x256xf32, #tpu.memory_space<hbm>>
    %dma_start3A_46 = arith.constant 0 : i32
    %dma_start3A_47 = arith.constant 0 : i32
    %dma_start3A_48 = tpu.memref_slice %arg6[%dma_start3A_37, %dma_start3A_46, %dma_start3A_47] : memref<2x128x256xf32, #tpu.memory_space<vmem>> -> memref<1x128x256xf32, #tpu.memory_space<vmem>>
    %dma_start3A_49 = tpu.memref_squeeze %dma_start3A_48 : memref<1x128x256xf32, #tpu.memory_space<vmem>> -> memref<128x256xf32, #tpu.memory_space<vmem>>
    tpu.enqueue_dma source(%dma_start3A_49 : memref<128x256xf32, #tpu.memory_space<vmem>>) target(%dma_start3A_45 : memref<128x256xf32, #tpu.memory_space<hbm>>) target_semaphore(%arg10 : memref<!tpu.dma_semaphore, #tpu.memory_space<semaphore_mem>>)
    %dma_wait3A_50 = arith.constant 1 : i32
    %dma_wait3A_51 = arith.constant 0 : i32
    %dma_wait3A_52 = arith.constant 0 : i32
    %dma_wait3A_53 = tpu.memref_slice %arg6[%dma_wait3A_50, %dma_wait3A_51, %dma_wait3A_52] : memref<2x128x256xf32, #tpu.memory_space<vmem>> -> memref<1x128x256xf32, #tpu.memory_space<vmem>>
    %dma_wait3A_54 = tpu.memref_squeeze %dma_wait3A_53 : memref<1x128x256xf32, #tpu.memory_space<vmem>> -> memref<128x256xf32, #tpu.memory_space<vmem>>
    %dma_wait3A_55 = arith.constant 128 : i32
    %dma_wait3A_56 = tpu.memref_slice %arg5[%dma_wait3A_55] : memref<512xi32, #tpu.memory_space<vmem>> -> memref<128xi32, #tpu.memory_space<vmem>>
    %dma_wait3A_57 = arith.constant 0 : i32
    %dma_wait3A_58 = arith.constant 0 : i32
    %dma_wait3A_59 = tpu.memref_slice %arg2[%dma_wait3A_57, %dma_wait3A_58] : memref<1024x256xf32, #tpu.memory_space<hbm>> -> memref<1024x256xf32, #tpu.memory_space<hbm>>
    tpu.wait_indirect_dma semaphore(%arg9 : memref<!tpu.dma_semaphore, #tpu.memory_space<semaphore_mem>>) src(%dma_wait3A_59 : memref<1024x256xf32, #tpu.memory_space<hbm>>) dst(%dma_wait3A_54 : memref<128x256xf32, #tpu.memory_space<vmem>>)
    %add3A_60 = arith.constant 128 : i32
    %add3A_61 = arith.addi %mul3A_2, %add3A_60 : i32
    %dma_start3A_62 = arith.constant 1 : i32
    %dma_start3A_63 = arith.constant 0 : i32
    %dma_start3A_64 = arith.constant 0 : i32
    %dma_start3A_65 = tpu.memref_slice %arg6[%dma_start3A_62, %dma_start3A_63, %dma_start3A_64] : memref<2x128x256xf32, #tpu.memory_space<vmem>> -> memref<1x128x256xf32, #tpu.memory_space<vmem>>
    %dma_start3A_66 = tpu.memref_squeeze %dma_start3A_65 : memref<1x128x256xf32, #tpu.memory_space<vmem>> -> memref<128x256xf32, #tpu.memory_space<vmem>>
    %dma_start3A_67 = arith.constant 0 : i32
    %dma_start3A_68 = tpu.memref_slice %arg4[%add3A_61, %dma_start3A_67] : memref<16384x256xf32, #tpu.memory_space<hbm>> -> memref<128x256xf32, #tpu.memory_space<hbm>>
    %dma_start3A_69 = arith.constant 0 : i32
    %dma_start3A_70 = tpu.memref_slice %arg4[%add3A_61, %dma_start3A_69] : memref<16384x256xf32, #tpu.memory_space<hbm>> -> memref<128x256xf32, #tpu.memory_space<hbm>>
    %dma_start3A_71 = arith.constant 0 : i32
    %dma_start3A_72 = arith.constant 0 : i32
    %dma_start3A_73 = tpu.memref_slice %arg6[%dma_start3A_62, %dma_start3A_71, %dma_start3A_72] : memref<2x128x256xf32, #tpu.memory_space<vmem>> -> memref<1x128x256xf32, #tpu.memory_space<vmem>>
    %dma_start3A_74 = tpu.memref_squeeze %dma_start3A_73 : memref<1x128x256xf32, #tpu.memory_space<vmem>> -> memref<128x256xf32, #tpu.memory_space<vmem>>
    tpu.enqueue_dma source(%dma_start3A_74 : memref<128x256xf32, #tpu.memory_space<vmem>>) target(%dma_start3A_70 : memref<128x256xf32, #tpu.memory_space<hbm>>) target_semaphore(%arg11 : memref<!tpu.dma_semaphore, #tpu.memory_space<semaphore_mem>>)
    %dma_wait3A_75 = arith.constant 0 : i32
    %dma_wait3A_76 = arith.constant 0 : i32
    %dma_wait3A_77 = arith.constant 0 : i32
    %dma_wait3A_78 = tpu.memref_slice %arg6[%dma_wait3A_75, %dma_wait3A_76, %dma_wait3A_77] : memref<2x128x256xf32, #tpu.memory_space<vmem>> -> memref<1x128x256xf32, #tpu.memory_space<vmem>>
    %dma_wait3A_79 = tpu.memref_squeeze %dma_wait3A_78 : memref<1x128x256xf32, #tpu.memory_space<vmem>> -> memref<128x256xf32, #tpu.memory_space<vmem>>
    %dma_wait3A_80 = arith.constant 0 : i32
    %dma_wait3A_81 = tpu.memref_slice %arg4[%add3A_36, %dma_wait3A_80] : memref<16384x256xf32, #tpu.memory_space<hbm>> -> memref<128x256xf32, #tpu.memory_space<hbm>>
    %dma_wait3A_82 = arith.constant 0 : i32
    %dma_wait3A_83 = tpu.memref_slice %arg4[%add3A_36, %dma_wait3A_82] : memref<16384x256xf32, #tpu.memory_space<hbm>> -> memref<128x256xf32, #tpu.memory_space<hbm>>
    %dma_wait3A_84 = arith.constant 0 : i32
    %dma_wait3A_85 = arith.constant 0 : i32
    %dma_wait3A_86 = tpu.memref_slice %arg6[%dma_wait3A_75, %dma_wait3A_84, %dma_wait3A_85] : memref<2x128x256xf32, #tpu.memory_space<vmem>> -> memref<1x128x256xf32, #tpu.memory_space<vmem>>
    %dma_wait3A_87 = tpu.memref_squeeze %dma_wait3A_86 : memref<1x128x256xf32, #tpu.memory_space<vmem>> -> memref<128x256xf32, #tpu.memory_space<vmem>>
    tpu.wait_dma2 semaphore(%arg10 : memref<!tpu.dma_semaphore, #tpu.memory_space<semaphore_mem>>) src(%dma_wait3A_87 : memref<128x256xf32, #tpu.memory_space<vmem>>) dst(%dma_wait3A_83 : memref<128x256xf32, #tpu.memory_space<hbm>>)
    %dma_start3A_88 = arith.constant 0 : i32
    %dma_start3A_89 = arith.constant 0 : i32
    %dma_start3A_90 = arith.constant 0 : i32
    %dma_start3A_91 = tpu.memref_slice %arg6[%dma_start3A_88, %dma_start3A_89, %dma_start3A_90] : memref<2x128x256xf32, #tpu.memory_space<vmem>> -> memref<1x128x256xf32, #tpu.memory_space<vmem>>
    %dma_start3A_92 = tpu.memref_squeeze %dma_start3A_91 : memref<1x128x256xf32, #tpu.memory_space<vmem>> -> memref<128x256xf32, #tpu.memory_space<vmem>>
    %dma_start3A_93 = arith.constant 256 : i32
    %dma_start3A_94 = tpu.memref_slice %arg5[%dma_start3A_93] : memref<512xi32, #tpu.memory_space<vmem>> -> memref<128xi32, #tpu.memory_space<vmem>>
    %dma_start3A_95 = arith.constant 0 : i32
    %dma_start3A_96 = arith.constant 0 : i32
    %dma_start3A_97 = tpu.memref_slice %arg2[%dma_start3A_95, %dma_start3A_96] : memref<1024x256xf32, #tpu.memory_space<hbm>> -> memref<1024x256xf32, #tpu.memory_space<hbm>>
    tpu.enqueue_indirect_dma source(%dma_start3A_97 : memref<1024x256xf32, #tpu.memory_space<hbm>>) target(%dma_start3A_92 : memref<128x256xf32, #tpu.memory_space<vmem>>) offsets(%dma_start3A_94 : memref<128xi32, #tpu.memory_space<vmem>>) semaphore(%arg8 : memref<!tpu.dma_semaphore, #tpu.memory_space<semaphore_mem>>)
    %dma_wait3A_98 = arith.constant 1 : i32
    %dma_wait3A_99 = arith.constant 0 : i32
    %dma_wait3A_100 = arith.constant 0 : i32
    %dma_wait3A_101 = tpu.memref_slice %arg6[%dma_wait3A_98, %dma_wait3A_99, %dma_wait3A_100] : memref<2x128x256xf32, #tpu.memory_space<vmem>> -> memref<1x128x256xf32, #tpu.memory_space<vmem>>
    %dma_wait3A_102 = tpu.memref_squeeze %dma_wait3A_101 : memref<1x128x256xf32, #tpu.memory_space<vmem>> -> memref<128x256xf32, #tpu.memory_space<vmem>>
    %dma_wait3A_103 = arith.constant 0 : i32
    %dma_wait3A_104 = tpu.memref_slice %arg4[%add3A_61, %dma_wait3A_103] : memref<16384x256xf32, #tpu.memory_space<hbm>> -> memref<128x256xf32, #tpu.memory_space<hbm>>
    %dma_wait3A_105 = arith.constant 0 : i32
    %dma_wait3A_106 = tpu.memref_slice %arg4[%add3A_61, %dma_wait3A_105] : memref<16384x256xf32, #tpu.memory_space<hbm>> -> memref<128x256xf32, #tpu.memory_space<hbm>>
    %dma_wait3A_107 = arith.constant 0 : i32
    %dma_wait3A_108 = arith.constant 0 : i32
    %dma_wait3A_109 = tpu.memref_slice %arg6[%dma_wait3A_98, %dma_wait3A_107, %dma_wait3A_108] : memref<2x128x256xf32, #tpu.memory_space<vmem>> -> memref<1x128x256xf32, #tpu.memory_space<vmem>>
    %dma_wait3A_110 = tpu.memref_squeeze %dma_wait3A_109 : memref<1x128x256xf32, #tpu.memory_space<vmem>> -> memref<128x256xf32, #tpu.memory_space<vmem>>
    tpu.wait_dma2 semaphore(%arg11 : memref<!tpu.dma_semaphore, #tpu.memory_space<semaphore_mem>>) src(%dma_wait3A_110 : memref<128x256xf32, #tpu.memory_space<vmem>>) dst(%dma_wait3A_106 : memref<128x256xf32, #tpu.memory_space<hbm>>)
    %dma_start3A_111 = arith.constant 1 : i32
    %dma_start3A_112 = arith.constant 0 : i32
    %dma_start3A_113 = arith.constant 0 : i32
    %dma_start3A_114 = tpu.memref_slice %arg6[%dma_start3A_111, %dma_start3A_112, %dma_start3A_113] : memref<2x128x256xf32, #tpu.memory_space<vmem>> -> memref<1x128x256xf32, #tpu.memory_space<vmem>>
    %dma_start3A_115 = tpu.memref_squeeze %dma_start3A_114 : memref<1x128x256xf32, #tpu.memory_space<vmem>> -> memref<128x256xf32, #tpu.memory_space<vmem>>
    %dma_start3A_116 = arith.constant 384 : i32
    %dma_start3A_117 = tpu.memref_slice %arg5[%dma_start3A_116] : memref<512xi32, #tpu.memory_space<vmem>> -> memref<128xi32, #tpu.memory_space<vmem>>
    %dma_start3A_118 = arith.constant 0 : i32
    %dma_start3A_119 = arith.constant 0 : i32
    %dma_start3A_120 = tpu.memref_slice %arg2[%dma_start3A_118, %dma_start3A_119] : memref<1024x256xf32, #tpu.memory_space<hbm>> -> memref<1024x256xf32, #tpu.memory_space<hbm>>
    tpu.enqueue_indirect_dma source(%dma_start3A_120 : memref<1024x256xf32, #tpu.memory_space<hbm>>) target(%dma_start3A_115 : memref<128x256xf32, #tpu.memory_space<vmem>>) offsets(%dma_start3A_117 : memref<128xi32, #tpu.memory_space<vmem>>) semaphore(%arg9 : memref<!tpu.dma_semaphore, #tpu.memory_space<semaphore_mem>>)
    %dma_wait3A_121 = arith.constant 0 : i32
    %dma_wait3A_122 = arith.constant 0 : i32
    %dma_wait3A_123 = arith.constant 0 : i32
    %dma_wait3A_124 = tpu.memref_slice %arg6[%dma_wait3A_121, %dma_wait3A_122, %dma_wait3A_123] : memref<2x128x256xf32, #tpu.memory_space<vmem>> -> memref<1x128x256xf32, #tpu.memory_space<vmem>>
    %dma_wait3A_125 = tpu.memref_squeeze %dma_wait3A_124 : memref<1x128x256xf32, #tpu.memory_space<vmem>> -> memref<128x256xf32, #tpu.memory_space<vmem>>
    %dma_wait3A_126 = arith.constant 256 : i32
    %dma_wait3A_127 = tpu.memref_slice %arg5[%dma_wait3A_126] : memref<512xi32, #tpu.memory_space<vmem>> -> memref<128xi32, #tpu.memory_space<vmem>>
    %dma_wait3A_128 = arith.constant 0 : i32
    %dma_wait3A_129 = arith.constant 0 : i32
    %dma_wait3A_130 = tpu.memref_slice %arg2[%dma_wait3A_128, %dma_wait3A_129] : memref<1024x256xf32, #tpu.memory_space<hbm>> -> memref<1024x256xf32, #tpu.memory_space<hbm>>
    tpu.wait_indirect_dma semaphore(%arg8 : memref<!tpu.dma_semaphore, #tpu.memory_space<semaphore_mem>>) src(%dma_wait3A_130 : memref<1024x256xf32, #tpu.memory_space<hbm>>) dst(%dma_wait3A_125 : memref<128x256xf32, #tpu.memory_space<vmem>>)
    %add3A_131 = arith.constant 256 : i32
    %add3A_132 = arith.addi %mul3A_2, %add3A_131 : i32
    %dma_start3A_133 = arith.constant 0 : i32
    %dma_start3A_134 = arith.constant 0 : i32
    %dma_start3A_135 = arith.constant 0 : i32
    %dma_start3A_136 = tpu.memref_slice %arg6[%dma_start3A_133, %dma_start3A_134, %dma_start3A_135] : memref<2x128x256xf32, #tpu.memory_space<vmem>> -> memref<1x128x256xf32, #tpu.memory_space<vmem>>
    %dma_start3A_137 = tpu.memref_squeeze %dma_start3A_136 : memref<1x128x256xf32, #tpu.memory_space<vmem>> -> memref<128x256xf32, #tpu.memory_space<vmem>>
    %dma_start3A_138 = arith.constant 0 : i32
    %dma_start3A_139 = tpu.memref_slice %arg4[%add3A_132, %dma_start3A_138] : memref<16384x256xf32, #tpu.memory_space<hbm>> -> memref<128x256xf32, #tpu.memory_space<hbm>>
    %dma_start3A_140 = arith.constant 0 : i32
    %dma_start3A_141 = tpu.memref_slice %arg4[%add3A_132, %dma_start3A_140] : memref<16384x256xf32, #tpu.memory_space<hbm>> -> memref<128x256xf32, #tpu.memory_space<hbm>>
    %dma_start3A_142 = arith.constant 0 : i32
    %dma_start3A_143 = arith.constant 0 : i32
    %dma_start3A_144 = tpu.memref_slice %arg6[%dma_start3A_133, %dma_start3A_142, %dma_start3A_143] : memref<2x128x256xf32, #tpu.memory_space<vmem>> -> memref<1x128x256xf32, #tpu.memory_space<vmem>>
    %dma_start3A_145 = tpu.memref_squeeze %dma_start3A_144 : memref<1x128x256xf32, #tpu.memory_space<vmem>> -> memref<128x256xf32, #tpu.memory_space<vmem>>
    tpu.enqueue_dma source(%dma_start3A_145 : memref<128x256xf32, #tpu.memory_space<vmem>>) target(%dma_start3A_141 : memref<128x256xf32, #tpu.memory_space<hbm>>) target_semaphore(%arg10 : memref<!tpu.dma_semaphore, #tpu.memory_space<semaphore_mem>>)
    %dma_wait3A_146 = arith.constant 1 : i32
    %dma_wait3A_147 = arith.constant 0 : i32
    %dma_wait3A_148 = arith.constant 0 : i32
    %dma_wait3A_149 = tpu.memref_slice %arg6[%dma_wait3A_146, %dma_wait3A_147, %dma_wait3A_148] : memref<2x128x256xf32, #tpu.memory_space<vmem>> -> memref<1x128x256xf32, #tpu.memory_space<vmem>>
    %dma_wait3A_150 = tpu.memref_squeeze %dma_wait3A_149 : memref<1x128x256xf32, #tpu.memory_space<vmem>> -> memref<128x256xf32, #tpu.memory_space<vmem>>
    %dma_wait3A_151 = arith.constant 384 : i32
    %dma_wait3A_152 = tpu.memref_slice %arg5[%dma_wait3A_151] : memref<512xi32, #tpu.memory_space<vmem>> -> memref<128xi32, #tpu.memory_space<vmem>>
    %dma_wait3A_153 = arith.constant 0 : i32
    %dma_wait3A_154 = arith.constant 0 : i32
    %dma_wait3A_155 = tpu.memref_slice %arg2[%dma_wait3A_153, %dma_wait3A_154] : memref<1024x256xf32, #tpu.memory_space<hbm>> -> memref<1024x256xf32, #tpu.memory_space<hbm>>
    tpu.wait_indirect_dma semaphore(%arg9 : memref<!tpu.dma_semaphore, #tpu.memory_space<semaphore_mem>>) src(%dma_wait3A_155 : memref<1024x256xf32, #tpu.memory_space<hbm>>) dst(%dma_wait3A_150 : memref<128x256xf32, #tpu.memory_space<vmem>>)
    %add3A_156 = arith.constant 384 : i32
    %add3A_157 = arith.addi %mul3A_2, %add3A_156 : i32
    %dma_start3A_158 = arith.constant 1 : i32
    %dma_start3A_159 = arith.constant 0 : i32
    %dma_start3A_160 = arith.constant 0 : i32
    %dma_start3A_161 = tpu.memref_slice %arg6[%dma_start3A_158, %dma_start3A_159, %dma_start3A_160] : memref<2x128x256xf32, #tpu.memory_space<vmem>> -> memref<1x128x256xf32, #tpu.memory_space<vmem>>
    %dma_start3A_162 = tpu.memref_squeeze %dma_start3A_161 : memref<1x128x256xf32, #tpu.memory_space<vmem>> -> memref<128x256xf32, #tpu.memory_space<vmem>>
    %dma_start3A_163 = arith.constant 0 : i32
    %dma_start3A_164 = tpu.memref_slice %arg4[%add3A_157, %dma_start3A_163] : memref<16384x256xf32, #tpu.memory_space<hbm>> -> memref<128x256xf32, #tpu.memory_space<hbm>>
    %dma_start3A_165 = arith.constant 0 : i32
    %dma_start3A_166 = tpu.memref_slice %arg4[%add3A_157, %dma_start3A_165] : memref<16384x256xf32, #tpu.memory_space<hbm>> -> memref<128x256xf32, #tpu.memory_space<hbm>>
    %dma_start3A_167 = arith.constant 0 : i32
    %dma_start3A_168 = arith.constant 0 : i32
    %dma_start3A_169 = tpu.memref_slice %arg6[%dma_start3A_158, %dma_start3A_167, %dma_start3A_168] : memref<2x128x256xf32, #tpu.memory_space<vmem>> -> memref<1x128x256xf32, #tpu.memory_space<vmem>>
    %dma_start3A_170 = tpu.memref_squeeze %dma_start3A_169 : memref<1x128x256xf32, #tpu.memory_space<vmem>> -> memref<128x256xf32, #tpu.memory_space<vmem>>
    tpu.enqueue_dma source(%dma_start3A_170 : memref<128x256xf32, #tpu.memory_space<vmem>>) target(%dma_start3A_166 : memref<128x256xf32, #tpu.memory_space<hbm>>) target_semaphore(%arg11 : memref<!tpu.dma_semaphore, #tpu.memory_space<semaphore_mem>>)
    %dma_wait3A_171 = arith.constant 0 : i32
    %dma_wait3A_172 = arith.constant 0 : i32
    %dma_wait3A_173 = arith.constant 0 : i32
    %dma_wait3A_174 = tpu.memref_slice %arg6[%dma_wait3A_171, %dma_wait3A_172, %dma_wait3A_173] : memref<2x128x256xf32, #tpu.memory_space<vmem>> -> memref<1x128x256xf32, #tpu.memory_space<vmem>>
    %dma_wait3A_175 = tpu.memref_squeeze %dma_wait3A_174 : memref<1x128x256xf32, #tpu.memory_space<vmem>> -> memref<128x256xf32, #tpu.memory_space<vmem>>
    %dma_wait3A_176 = arith.constant 0 : i32
    %dma_wait3A_177 = tpu.memref_slice %arg4[%add3A_132, %dma_wait3A_176] : memref<16384x256xf32, #tpu.memory_space<hbm>> -> memref<128x256xf32, #tpu.memory_space<hbm>>
    %dma_wait3A_178 = arith.constant 0 : i32
    %dma_wait3A_179 = tpu.memref_slice %arg4[%add3A_132, %dma_wait3A_178] : memref<16384x256xf32, #tpu.memory_space<hbm>> -> memref<128x256xf32, #tpu.memory_space<hbm>>
    %dma_wait3A_180 = arith.constant 0 : i32
    %dma_wait3A_181 = arith.constant 0 : i32
    %dma_wait3A_182 = tpu.memref_slice %arg6[%dma_wait3A_171, %dma_wait3A_180, %dma_wait3A_181] : memref<2x128x256xf32, #tpu.memory_space<vmem>> -> memref<1x128x256xf32, #tpu.memory_space<vmem>>
    %dma_wait3A_183 = tpu.memref_squeeze %dma_wait3A_182 : memref<1x128x256xf32, #tpu.memory_space<vmem>> -> memref<128x256xf32, #tpu.memory_space<vmem>>
    tpu.wait_dma2 semaphore(%arg10 : memref<!tpu.dma_semaphore, #tpu.memory_space<semaphore_mem>>) src(%dma_wait3A_183 : memref<128x256xf32, #tpu.memory_space<vmem>>) dst(%dma_wait3A_179 : memref<128x256xf32, #tpu.memory_space<hbm>>)
    %dma_wait3A_184 = arith.constant 1 : i32
    %dma_wait3A_185 = arith.constant 0 : i32
    %dma_wait3A_186 = arith.constant 0 : i32
    %dma_wait3A_187 = tpu.memref_slice %arg6[%dma_wait3A_184, %dma_wait3A_185, %dma_wait3A_186] : memref<2x128x256xf32, #tpu.memory_space<vmem>> -> memref<1x128x256xf32, #tpu.memory_space<vmem>>
    %dma_wait3A_188 = tpu.memref_squeeze %dma_wait3A_187 : memref<1x128x256xf32, #tpu.memory_space<vmem>> -> memref<128x256xf32, #tpu.memory_space<vmem>>
    %dma_wait3A_189 = arith.constant 0 : i32
    %dma_wait3A_190 = tpu.memref_slice %arg4[%add3A_157, %dma_wait3A_189] : memref<16384x256xf32, #tpu.memory_space<hbm>> -> memref<128x256xf32, #tpu.memory_space<hbm>>
    %dma_wait3A_191 = arith.constant 0 : i32
    %dma_wait3A_192 = tpu.memref_slice %arg4[%add3A_157, %dma_wait3A_191] : memref<16384x256xf32, #tpu.memory_space<hbm>> -> memref<128x256xf32, #tpu.memory_space<hbm>>
    %dma_wait3A_193 = arith.constant 0 : i32
    %dma_wait3A_194 = arith.constant 0 : i32
    %dma_wait3A_195 = tpu.memref_slice %arg6[%dma_wait3A_184, %dma_wait3A_193, %dma_wait3A_194] : memref<2x128x256xf32, #tpu.memory_space<vmem>> -> memref<1x128x256xf32, #tpu.memory_space<vmem>>
    %dma_wait3A_196 = tpu.memref_squeeze %dma_wait3A_195 : memref<1x128x256xf32, #tpu.memory_space<vmem>> -> memref<128x256xf32, #tpu.memory_space<vmem>>
    tpu.wait_dma2 semaphore(%arg11 : memref<!tpu.dma_semaphore, #tpu.memory_space<semaphore_mem>>) src(%dma_wait3A_196 : memref<128x256xf32, #tpu.memory_space<vmem>>) dst(%dma_wait3A_192 : memref<128x256xf32, #tpu.memory_space<hbm>>)
    return
  }
}

module attributes {stable_mosaic.version = 14 : i64} {
  func.func @_encoder_body(%arg0: i32, %arg1: memref<1024x784xf32, #tpu.memory_space<vmem>>, %arg2: memref<784x512xf32, #tpu.memory_space<vmem>>, %arg3: memref<512xf32, #tpu.memory_space<vmem>>, %arg4: memref<512x256xf32, #tpu.memory_space<vmem>>, %arg5: memref<256xf32, #tpu.memory_space<vmem>>, %arg6: memref<1024x256xf32, #tpu.memory_space<vmem>>) attributes {dimension_semantics = [#tpu.dimension_semantics<arbitrary>], iteration_bounds = array<i64: 16>, scalar_prefetch = 0 : i64, scratch_operands = 0 : i64, tpu.core_type = #tpu.core_type<tc>, window_params = [{transform_indices = @transform_0, window_bounds = array<i64: 1024, 784>}, {pipeline_mode = #tpu.pipeline_mode<synchronous>, transform_indices = @transform_1, window_bounds = array<i64: 784, 512>}, {pipeline_mode = #tpu.pipeline_mode<synchronous>, transform_indices = @transform_2, window_bounds = array<i64: 512>}, {pipeline_mode = #tpu.pipeline_mode<synchronous>, transform_indices = @transform_3, window_bounds = array<i64: 512, 256>}, {pipeline_mode = #tpu.pipeline_mode<synchronous>, transform_indices = @transform_4, window_bounds = array<i64: 256>}, {transform_indices = @transform_5, window_bounds = array<i64: 1024, 256>}]} {
    %get3A = arith.constant 0 : index
    %get3A_0 = arith.constant 0 : index
    %get3A_1 = vector.load %arg1[%get3A, %get3A_0] : memref<1024x784xf32, #tpu.memory_space<vmem>>, vector<1024x784xf32>
    %get3A_2 = arith.constant 0 : index
    %get3A_3 = arith.constant 0 : index
    %get3A_4 = vector.load %arg2[%get3A_2, %get3A_3] : memref<784x512xf32, #tpu.memory_space<vmem>>, vector<784x512xf32>
    %dot_general3A = arith.constant dense<0.000000e+00> : vector<1024x512xf32>
    %dot_general3A_5 = tpu.matmul %get3A_1, %get3A_4, %dot_general3A {dimension_numbers = #tpu.dot_dimension_numbers<[1], [0], [0], [1], [0, 0, 1, 1], [], []>, transpose_lhs_hint = false} : vector<1024x784xf32>, vector<784x512xf32>, vector<1024x512xf32> -> vector<1024x512xf32>
    %get3A_6 = arith.constant 0 : index
    %get3A_7 = vector.load %arg3[%get3A_6] : memref<512xf32, #tpu.memory_space<vmem>>, vector<512xf32>
    %broadcast_in_dim3A = vector.shape_cast %get3A_7 : vector<512xf32> to vector<1x512xf32>
    %add3A = vector.broadcast %broadcast_in_dim3A : vector<1x512xf32> to vector<1024x512xf32>
    %add3A_8 = arith.addf %dot_general3A_5, %add3A : vector<1024x512xf32>
    %max3A = arith.constant 0.000000e+00 : f32
    %max3A_9 = vector.broadcast %max3A : f32 to vector<1024x512xf32>
    %max3A_10 = arith.maximumf %add3A_8, %max3A_9 : vector<1024x512xf32>
    %get3A_11 = arith.constant 0 : index
    %get3A_12 = arith.constant 0 : index
    %get3A_13 = vector.load %arg4[%get3A_11, %get3A_12] : memref<512x256xf32, #tpu.memory_space<vmem>>, vector<512x256xf32>
    %dot_general3A_14 = arith.constant dense<0.000000e+00> : vector<1024x256xf32>
    %dot_general3A_15 = tpu.matmul %max3A_10, %get3A_13, %dot_general3A_14 {dimension_numbers = #tpu.dot_dimension_numbers<[1], [0], [0], [1], [0, 0, 1, 1], [], []>, transpose_lhs_hint = false} : vector<1024x512xf32>, vector<512x256xf32>, vector<1024x256xf32> -> vector<1024x256xf32>
    %get3A_16 = arith.constant 0 : index
    %get3A_17 = vector.load %arg5[%get3A_16] : memref<256xf32, #tpu.memory_space<vmem>>, vector<256xf32>
    %broadcast_in_dim3A_18 = vector.shape_cast %get3A_17 : vector<256xf32> to vector<1x256xf32>
    %add3A_19 = vector.broadcast %broadcast_in_dim3A_18 : vector<1x256xf32> to vector<1024x256xf32>
    %add3A_20 = arith.addf %dot_general3A_15, %add3A_19 : vector<1024x256xf32>
    %swap3A = arith.constant 0 : index
    %swap3A_21 = arith.constant 0 : index
    %swap3A_22 = vector.load %arg6[%swap3A, %swap3A_21] : memref<1024x256xf32, #tpu.memory_space<vmem>>, vector<1024x256xf32>
    tpu.vector_store %arg6[%swap3A, %swap3A_21], %add3A_20 {strides = array<i32>} : memref<1024x256xf32, #tpu.memory_space<vmem>>, vector<1024x256xf32>,
    return
  }
  func.func @transform_0(%arg0: i32) -> (i32, i32) {
    %c0_i32 = arith.constant 0 : i32
    %c0_i32_0 = arith.constant 0 : i32
    return %arg0, %c0_i32 : i32, i32
  }
  func.func @transform_1(%arg0: i32) -> (i32, i32) {
    %c0_i32 = arith.constant 0 : i32
    %c0_i32_0 = arith.constant 0 : i32
    %c0_i32_1 = arith.constant 0 : i32
    return %c0_i32, %c0_i32_0 : i32, i32
  }
  func.func @transform_2(%arg0: i32) -> i32 {
    %c0_i32 = arith.constant 0 : i32
    %c0_i32_0 = arith.constant 0 : i32
    return %c0_i32 : i32
  }
  func.func @transform_3(%arg0: i32) -> (i32, i32) {
    %c0_i32 = arith.constant 0 : i32
    %c0_i32_0 = arith.constant 0 : i32
    %c0_i32_1 = arith.constant 0 : i32
    return %c0_i32, %c0_i32_0 : i32, i32
  }
  func.func @transform_4(%arg0: i32) -> i32 {
    %c0_i32 = arith.constant 0 : i32
    %c0_i32_0 = arith.constant 0 : i32
    return %c0_i32 : i32
  }
  func.func @transform_5(%arg0: i32) -> (i32, i32) {
    %c0_i32 = arith.constant 0 : i32
    %c0_i32_0 = arith.constant 0 : i32
    return %arg0, %c0_i32 : i32, i32
  }
}

module attributes {stable_mosaic.version = 14 : i64} {
  func.func @_argmin_body(%arg0: i32, %arg1: memref<1024x256xf32, #tpu.memory_space<vmem>>, %arg2: memref<1024x256xf32, #tpu.memory_space<vmem>>, %arg3: memref<1024xi32, #tpu.memory_space<vmem>>) attributes {dimension_semantics = [#tpu.dimension_semantics<arbitrary>], iteration_bounds = array<i64: 16>, scalar_prefetch = 0 : i64, scratch_operands = 0 : i64, tpu.core_type = #tpu.core_type<tc>, window_params = [{transform_indices = @transform_0, window_bounds = array<i64: 1024, 256>}, {pipeline_mode = #tpu.pipeline_mode<synchronous>, transform_indices = @transform_1, window_bounds = array<i64: 1024, 256>}, {transform_indices = @transform_2, window_bounds = array<i64: 1024>}]} {
    %get3A = arith.constant 0 : index
    %get3A_0 = arith.constant 0 : index
    %get3A_1 = vector.load %arg1[%get3A, %get3A_0] : memref<1024x256xf32, #tpu.memory_space<vmem>>, vector<1024x256xf32>
    %transpose3A = tpu.transpose %get3A_1, [1, 0] : vector<1024x256xf32> -> vector<256x1024xf32>
    %get3A_2 = arith.constant 0 : index
    %get3A_3 = arith.constant 0 : index
    %get3A_4 = vector.load %arg2[%get3A_2, %get3A_3] : memref<1024x256xf32, #tpu.memory_space<vmem>>, vector<1024x256xf32>
    %dot_general3A = arith.constant dense<0.000000e+00> : vector<1024x1024xf32>
    %dot_general3A_5 = tpu.matmul %get3A_4, %transpose3A, %dot_general3A {dimension_numbers = #tpu.dot_dimension_numbers<[1], [0], [0], [1], [0, 0, 1, 1], [], []>, transpose_lhs_hint = false} : vector<1024x256xf32>, vector<256x1024xf32>, vector<1024x1024xf32> -> vector<1024x1024xf32>
    %mul3A = arith.mulf %transpose3A, %transpose3A : vector<256x1024xf32>
    %reduce_sum3A = arith.constant dense<0.000000e+00> : vector<1024xf32>
    %reduce_sum3A_6 = vector.multi_reduction <add>, %mul3A, %reduce_sum3A [0] : vector<256x1024xf32> to vector<1024xf32>
    %broadcast_in_dim3A = vector.shape_cast %reduce_sum3A_6 : vector<1024xf32> to vector<1x1024xf32>
    %mul3A_7 = arith.mulf %get3A_4, %get3A_4 : vector<1024x256xf32>
    %reduce_sum3A_8 = arith.constant dense<0.000000e+00> : vector<1024xf32>
    %reduce_sum3A_9 = vector.multi_reduction <add>, %mul3A_7, %reduce_sum3A_8 [1] : vector<1024x256xf32> to vector<1024xf32>
    %broadcast_in_dim3A_10 = vector.shape_cast %reduce_sum3A_9 : vector<1024xf32> to vector<1024x1xf32>
    %add3A = vector.broadcast %broadcast_in_dim3A : vector<1x1024xf32> to vector<1024x1024xf32>
    %add3A_11 = vector.broadcast %broadcast_in_dim3A_10 : vector<1024x1xf32> to vector<1024x1024xf32>
    %add3A_12 = arith.addf %add3A, %add3A_11 : vector<1024x1024xf32>
    %mul3A_13 = arith.constant 2.000000e+00 : f32
    %mul3A_14 = vector.broadcast %mul3A_13 : f32 to vector<1024x1024xf32>
    %mul3A_15 = arith.mulf %dot_general3A_5, %mul3A_14 : vector<1024x1024xf32>
    %sub3A = arith.subf %add3A_12, %mul3A_15 : vector<1024x1024xf32>
    %max3A = arith.constant 0.000000e+00 : f32
    %max3A_16 = vector.broadcast %max3A : f32 to vector<1024x1024xf32>
    %max3A_17 = arith.maximumf %max3A_16, %sub3A : vector<1024x1024xf32>
    %sqrt3A = math.sqrt %max3A_17 : vector<1024x1024xf32>
    %reduce_min3A = arith.constant dense<0x7F800000> : vector<1024xf32>
    %reduce_min3A_18 = vector.multi_reduction <minimumf>, %sqrt3A, %reduce_min3A [0] : vector<1024x1024xf32> to vector<1024xf32>
    %broadcast_in_dim3A_19 = vector.shape_cast %reduce_min3A_18 : vector<1024xf32> to vector<1x1024xf32>
    %iota3A = tpu.iota {dimensions = array<i32: 0>} : vector<1024x1024xi32>
    %le3A = vector.broadcast %broadcast_in_dim3A_19 : vector<1x1024xf32> to vector<1024x1024xf32>
    %le3A_20 = arith.cmpf ole, %sqrt3A, %le3A : vector<1024x1024xf32>
    %jit3A = arith.constant 1024 : i32
    %broadcast_in_dim3A_21 = vector.broadcast %jit3A : i32 to vector<1024x1024xi32>
    %select_n3A = arith.select %le3A_20, %iota3A, %broadcast_in_dim3A_21 : vector<1024x1024xi1>, vector<1024x1024xi32>
    %reduce_min3A_22 = arith.constant dense<2147483647> : vector<1024xi32>
    %reduce_min3A_23 = vector.multi_reduction <minsi>, %select_n3A, %reduce_min3A_22 [0] : vector<1024x1024xi32> to vector<1024xi32>
    %swap3A = arith.constant 0 : index
    %swap3A_24 = vector.load %arg3[%swap3A] : memref<1024xi32, #tpu.memory_space<vmem>>, vector<1024xi32>
    tpu.vector_store %arg3[%swap3A], %reduce_min3A_23 {strides = array<i32>} : memref<1024xi32, #tpu.memory_space<vmem>>, vector<1024xi32>,
    return
  }
  func.func @transform_0(%arg0: i32) -> (i32, i32) {
    %c0_i32 = arith.constant 0 : i32
    %c0_i32_0 = arith.constant 0 : i32
    return %arg0, %c0_i32 : i32, i32
  }
  func.func @transform_1(%arg0: i32) -> (i32, i32) {
    %c0_i32 = arith.constant 0 : i32
    %c0_i32_0 = arith.constant 0 : i32
    %c0_i32_1 = arith.constant 0 : i32
    return %c0_i32, %c0_i32_0 : i32, i32
  }
  func.func @transform_2(%arg0: i32) -> i32 {
    %c0_i32 = arith.constant 0 : i32
    return %arg0 : i32
  }
}

module attributes {stable_mosaic.version = 14 : i64} {
  func.func @_decoder_body(%arg0: i32, %arg1: memref<1024xi32, #tpu.memory_space<vmem>>, %arg2: memref<1024x256xf32, #tpu.memory_space<vmem>>, %arg3: memref<256x512xf32, #tpu.memory_space<vmem>>, %arg4: memref<512xf32, #tpu.memory_space<vmem>>, %arg5: memref<784x512xf32, #tpu.memory_space<vmem>>, %arg6: memref<784xf32, #tpu.memory_space<vmem>>, %arg7: memref<28x28x8x128xf32, #tpu.memory_space<vmem>>) attributes {dimension_semantics = [#tpu.dimension_semantics<arbitrary>], iteration_bounds = array<i64: 16>, scalar_prefetch = 0 : i64, scratch_operands = 0 : i64, tpu.core_type = #tpu.core_type<tc>, window_params = [{transform_indices = @transform_0, window_bounds = array<i64: 1024>}, {pipeline_mode = #tpu.pipeline_mode<synchronous>, transform_indices = @transform_1, window_bounds = array<i64: 1024, 256>}, {pipeline_mode = #tpu.pipeline_mode<synchronous>, transform_indices = @transform_2, window_bounds = array<i64: 256, 512>}, {pipeline_mode = #tpu.pipeline_mode<synchronous>, transform_indices = @transform_3, window_bounds = array<i64: 512>}, {pipeline_mode = #tpu.pipeline_mode<synchronous>, transform_indices = @transform_4, window_bounds = array<i64: 784, 512>}, {pipeline_mode = #tpu.pipeline_mode<synchronous>, transform_indices = @transform_5, window_bounds = array<i64: 784>}, {transform_indices = @transform_6, window_bounds = array<i64: 28, 28, 8, 128>}]} {
    %iota3A = tpu.iota {dimensions = array<i32: 0>} : vector<1024x1024xi32>
    %get3A = arith.constant 0 : index
    %get3A_0 = vector.load %arg1[%get3A] : memref<1024xi32, #tpu.memory_space<vmem>>, vector<1024xi32>
    %broadcast_in_dim3A = vector.shape_cast %get3A_0 : vector<1024xi32> to vector<1x1024xi32>
    %eq3A = vector.broadcast %broadcast_in_dim3A : vector<1x1024xi32> to vector<1024x1024xi32>
    %eq3A_1 = arith.cmpi eq, %iota3A, %eq3A : vector<1024x1024xi32>
    %jit3A = arith.constant 1.000000e+00 : f32
    %jit3A_2 = arith.constant 0.000000e+00 : f32
    %broadcast_in_dim3A_3 = vector.broadcast %jit3A : f32 to vector<1024x1024xf32>
    %broadcast_in_dim3A_4 = vector.broadcast %jit3A_2 : f32 to vector<1024x1024xf32>
    %select_n3A = arith.select %eq3A_1, %broadcast_in_dim3A_3, %broadcast_in_dim3A_4 : vector<1024x1024xi1>, vector<1024x1024xf32>
    %get3A_5 = arith.constant 0 : index
    %get3A_6 = arith.constant 0 : index
    %get3A_7 = vector.load %arg2[%get3A_5, %get3A_6] : memref<1024x256xf32, #tpu.memory_space<vmem>>, vector<1024x256xf32>
    %dot_general3A = arith.constant dense<0.000000e+00> : vector<256x1024xf32>
    %dot_general3A_8 = tpu.matmul %get3A_7, %select_n3A, %dot_general3A {dimension_numbers = #tpu.dot_dimension_numbers<[0], [0], [1], [1], [0, 1, 1, 1], [], []>, transpose_lhs_hint = false} : vector<1024x256xf32>, vector<1024x1024xf32>, vector<256x1024xf32> -> vector<256x1024xf32>
    %get3A_9 = arith.constant 0 : index
    %get3A_10 = arith.constant 0 : index
    %get3A_11 = vector.load %arg3[%get3A_9, %get3A_10] : memref<256x512xf32, #tpu.memory_space<vmem>>, vector<256x512xf32>
    %dot_general3A_12 = arith.constant dense<0.000000e+00> : vector<512x1024xf32>
    %dot_general3A_13 = tpu.matmul %get3A_11, %dot_general3A_8, %dot_general3A_12 {dimension_numbers = #tpu.dot_dimension_numbers<[0], [0], [1], [1], [0, 1, 1, 1], [], []>, transpose_lhs_hint = false} : vector<256x512xf32>, vector<256x1024xf32>, vector<512x1024xf32> -> vector<512x1024xf32>
    %get3A_14 = arith.constant 0 : index
    %get3A_15 = vector.load %arg4[%get3A_14] : memref<512xf32, #tpu.memory_space<vmem>>, vector<512xf32>
    %broadcast_in_dim3A_16 = vector.shape_cast %get3A_15 : vector<512xf32> to vector<512x1xf32>
    %add3A = vector.broadcast %broadcast_in_dim3A_16 : vector<512x1xf32> to vector<512x1024xf32>
    %add3A_17 = arith.addf %dot_general3A_13, %add3A : vector<512x1024xf32>
    %max3A = arith.constant 0.000000e+00 : f32
    %max3A_18 = vector.broadcast %max3A : f32 to vector<512x1024xf32>
    %max3A_19 = arith.maximumf %add3A_17, %max3A_18 : vector<512x1024xf32>
    %get3A_20 = arith.constant 0 : index
    %get3A_21 = arith.constant 0 : index
    %get3A_22 = vector.load %arg5[%get3A_20, %get3A_21] : memref<784x512xf32, #tpu.memory_space<vmem>>, vector<784x512xf32>
    %dot_general3A_23 = arith.constant dense<0.000000e+00> : vector<784x1024xf32>
    %dot_general3A_24 = tpu.matmul %get3A_22, %max3A_19, %dot_general3A_23 {dimension_numbers = #tpu.dot_dimension_numbers<[1], [0], [0], [1], [0, 0, 1, 1], [], []>, transpose_lhs_hint = false} : vector<784x512xf32>, vector<512x1024xf32>, vector<784x1024xf32> -> vector<784x1024xf32>
    %get3A_25 = arith.constant 0 : index
    %get3A_26 = vector.load %arg6[%get3A_25] : memref<784xf32, #tpu.memory_space<vmem>>, vector<784xf32>
    %broadcast_in_dim3A_27 = vector.shape_cast %get3A_26 : vector<784xf32> to vector<784x1xf32>
    %add3A_28 = vector.broadcast %broadcast_in_dim3A_27 : vector<784x1xf32> to vector<784x1024xf32>
    %add3A_29 = arith.addf %dot_general3A_24, %add3A_28 : vector<784x1024xf32>
    %logistic3A = arith.negf %add3A_29 : vector<784x1024xf32>
    %logistic3A_30 = math.exp %logistic3A : vector<784x1024xf32>
    %logistic3A_31 = arith.constant 1.000000e+00 : f32
    %logistic3A_32 = vector.broadcast %logistic3A_31 : f32 to vector<784x1024xf32>
    %logistic3A_33 = arith.addf %logistic3A_32, %logistic3A_30 : vector<784x1024xf32>
    %logistic3A_34 = arith.divf %logistic3A_32, %logistic3A_33 : vector<784x1024xf32>
    %reshape3A = vector.shape_cast %logistic3A_34 : vector<784x1024xf32> to vector<28x28x8x128xf32>
    %swap3A = arith.constant 0 : index
    %swap3A_35 = arith.constant 0 : index
    %swap3A_36 = arith.constant 0 : index
    %swap3A_37 = arith.constant 0 : index
    %swap3A_38 = vector.load %arg7[%swap3A, %swap3A_35, %swap3A_36, %swap3A_37] : memref<28x28x8x128xf32, #tpu.memory_space<vmem>>, vector<28x28x8x128xf32>
    tpu.vector_store %arg7[%swap3A, %swap3A_35, %swap3A_36, %swap3A_37], %reshape3A {strides = array<i32>} : memref<28x28x8x128xf32, #tpu.memory_space<vmem>>, vector<28x28x8x128xf32>,
    return
  }
  func.func @transform_0(%arg0: i32) -> i32 {
    %c0_i32 = arith.constant 0 : i32
    return %arg0 : i32
  }
  func.func @transform_1(%arg0: i32) -> (i32, i32) {
    %c0_i32 = arith.constant 0 : i32
    %c0_i32_0 = arith.constant 0 : i32
    %c0_i32_1 = arith.constant 0 : i32
    return %c0_i32, %c0_i32_0 : i32, i32
  }
  func.func @transform_2(%arg0: i32) -> (i32, i32) {
    %c0_i32 = arith.constant 0 : i32
    %c0_i32_0 = arith.constant 0 : i32
    %c0_i32_1 = arith.constant 0 : i32
    return %c0_i32, %c0_i32_0 : i32, i32
  }
  func.func @transform_3(%arg0: i32) -> i32 {
    %c0_i32 = arith.constant 0 : i32
    %c0_i32_0 = arith.constant 0 : i32
    return %c0_i32 : i32
  }
  func.func @transform_4(%arg0: i32) -> (i32, i32) {
    %c0_i32 = arith.constant 0 : i32
    %c0_i32_0 = arith.constant 0 : i32
    %c0_i32_1 = arith.constant 0 : i32
    return %c0_i32, %c0_i32_0 : i32, i32
  }
  func.func @transform_5(%arg0: i32) -> i32 {
    %c0_i32 = arith.constant 0 : i32
    %c0_i32_0 = arith.constant 0 : i32
    return %c0_i32 : i32
  }
  func.func @transform_6(%arg0: i32) -> (i32, i32, i32, i32) {
    %c0_i32 = arith.constant 0 : i32
    %c0_i32_0 = arith.constant 0 : i32
    %c0_i32_1 = arith.constant 0 : i32
    %c0_i32_2 = arith.constant 0 : i32
    return %c0_i32, %c0_i32_0, %arg0, %c0_i32_1 : i32, i32, i32, i32
  }
}

module attributes {stable_mosaic.version = 14 : i64} {
  func.func @_transpose_body(%arg0: i32, %arg1: memref<98x8x8x128xf32, #tpu.memory_space<vmem>>, %arg2: memref<1024x784xf32, #tpu.memory_space<vmem>>) attributes {dimension_semantics = [#tpu.dimension_semantics<arbitrary>], iteration_bounds = array<i64: 16>, scalar_prefetch = 0 : i64, scratch_operands = 0 : i64, tpu.core_type = #tpu.core_type<tc>, window_params = [{transform_indices = @transform_0, window_bounds = array<i64: 98, 8, 8, 128>}, {transform_indices = @transform_1, window_bounds = array<i64: 1024, 784>}]} {
    %get3A = arith.constant 0 : index
    %get3A_0 = arith.constant 0 : index
    %get3A_1 = arith.constant 0 : index
    %get3A_2 = arith.constant 0 : index
    %get3A_3 = vector.load %arg1[%get3A, %get3A_0, %get3A_1, %get3A_2] : memref<98x8x8x128xf32, #tpu.memory_space<vmem>>, vector<98x8x8x128xf32>
    %reshape3A = vector.shape_cast %get3A_3 : vector<98x8x8x128xf32> to vector<784x1024xf32>
    %transpose3A = tpu.transpose %reshape3A, [1, 0] : vector<784x1024xf32> -> vector<1024x784xf32>
    %swap3A = arith.constant 0 : index
    %swap3A_4 = arith.constant 0 : index
    %swap3A_5 = vector.load %arg2[%swap3A, %swap3A_4] : memref<1024x784xf32, #tpu.memory_space<vmem>>, vector<1024x784xf32>
    tpu.vector_store %arg2[%swap3A, %swap3A_4], %transpose3A {strides = array<i32>} : memref<1024x784xf32, #tpu.memory_space<vmem>>, vector<1024x784xf32>,
    return
  }
  func.func @transform_0(%arg0: i32) -> (i32, i32, i32, i32) {
    %c0_i32 = arith.constant 0 : i32
    %c0_i32_0 = arith.constant 0 : i32
    %c0_i32_1 = arith.constant 0 : i32
    %c0_i32_2 = arith.constant 0 : i32
    return %c0_i32, %c0_i32_0, %arg0, %c0_i32_1 : i32, i32, i32, i32
  }
  func.func @transform_1(%arg0: i32) -> (i32, i32) {
    %c0_i32 = arith.constant 0 : i32
    %c0_i32_0 = arith.constant 0 : i32
    return %arg0, %c0_i32 : i32, i32
  }
}

</mosaic_0001>

<sc_bundles>
// kernel: kernel.7.cloned.1.call-start
scs
__scs_entry_jumppad:
0x0: {  	(pc) =	sbr.rel $0x88, $3  }
0x1: {  	(tag) =	ssettag $0x0;
	lr =	simm.s32 $0x1  }
0x2: {  	[smem:$0x3F97] =	sst lr;
	_ =	strace $0xD0000000  }
0x3: {  	_ = 	snop  }
0x4: {  	_ = 	snop  }
0x5: {  	_ = 	snop  }
0x6: {  	_ = 	snop  }
0x7: {  	_ = 	snop  }
__scs_overlays_trampoline_lowered:
0x8: {  	[smem:$0x3FA6] =	sst s0  }
0x9: {  	[smem:$0x3FA7] =	sst s1  }
0xa: {  	[smem:$0x3FA8] =	sst s2  }
0xb: {  	[smem:$0x3FA9] =	sst s3  }
0xc: {  	[smem:$0x3FAA] =	sst s4  }
0xd: {  	[smem:$0x3FAB] =	sst s5  }
0xe: {  	[smem:$0x3FAC] =	sst s6  }
0xf: {  	[smem:$0x3FAD] =	sst s7  }
0x10: {  	[smem:$0x3FAE] =	sst s8  }
0x11: {  	[smem:$0x3FAF] =	sst s9;
	s0 =	simm.s32 @!p0 $0x0  }
0x12: {  	s1 =	sld [smem:$0x3F95];
	s0 =	simm.s32 @p0 $0x1  }
0x13: {  	[smem:$0x3FB0] =	sst s0;
	s0 =	simm.s32 @!p1 $0x0  }
0x14: {  	s2 =	sld [smem:$0x3F94];
	s0 =	simm.s32 @p1 $0x1  }
0x15: {  	[smem:$0x3FB1] =	sst s0;
	s0 =	simm.s32 @!p2 $0x0  }
0x16: {  	s3 =	sld [smem:$0x3FDB];
	s0 =	simm.s32 @p2 $0x1  }
0x17: {  	s4 =	simm.s32 $0x1BF5;
	[smem:$0x3FB3] =	sst s0  }
0x18: {  	s0 =	sld [smem:$0x3F96];
	_ =	swait.ge [sflag:s4], $0x0  }
0x19: {  	s7 =	sld [smem:$0x3F97]  }
0x1a: {  	s8 =	sadd.s32 $0xFFFFE003, lr  }
0x1b: {  	s9 =	sadd.s32 $0xFFFFFEF7, lr;
	s5 =	simm.s32 $0xFFFFFFFF;
	p2 =	slt.u32 s8, $0xFFFFF086  }
0x1c: {  	p1 =	slt.u32 s9, $0xF7A;
	s5 =	simm.s32 @!p2 $0x0  }
0x1d: {  	s5 =	simm.s32 @p1 $0x1;
	p0 =	seq.s32 s7, s2  }
0x1e: {  	s7 =	smul.u32 @!p0 $0xF7A, s2;
	p2 =	seq.s32 @!p0 s5, $0x0  }
0x1f: {  	s9 =	smul.u32 $0xF7A, s1;
	s8 =	simm.s32 @!p0 $0x1BF5;
	p2 =	por !p2, p0  }
0x20: {  	[sflag:s8] =	ssyncset.s32 @!p0 $0xFFFFF086;
	s6 =	sadd.s32 @!p0 s3, s7;
	s7 =	simm.s32 @!p0 $0x108  }
0x21: {  	s3 =	sadd.s32 s3, s9;
	s6 =	sadd.s32 @!p0 $0x88, s6;
	s7 =	simm.s32 @p2 $0x1082  }
0x22: {  	[simem:s7], [sflag:s8] =	dma.local @!p0 [hbm:s6], $0xF7A  }
0x23: {  	s9 =	sor.u32 $0xD0000000, s2;
	s6 =	simm.s32 $0x108;
	_ =	swait.ge @!p0 [sflag:s8], $0x0  }
0x24: {  	s3 =	sadd.s32 $0x88, s3;
	s6 =	simm.s32 @!p1 $0x1082;
	[sflag:s4] =	ssyncset.s32 $0xFFFFF086  }
0x25: {  	[simem:s6], [sflag:s4] =	dma.local [hbm:s3], $0xF7A  }
0x26: {  	[smem:$0x3F97] =	sst s1;
	(tag) =	ssettag s2;
	_ =	strace s9  }
0x27: {  	s1 =	sld [smem:$0x3FA7]  }
0x28: {  	s2 =	sld [smem:$0x3FA8]  }
0x29: {  	s4 =	sld [smem:$0x3FAA]  }
0x2a: {  	p0 =	seq.s32 s5, $0x0;
	s5 =	sld [smem:$0x3FAB]  }
0x2b: {  	s6 =	sld [smem:$0x3FAC]  }
0x2c: {  	s7 =	sld [smem:$0x3FAD]  }
0x2d: {  	s3 =	simm.s32 $0x108;
	s8 =	sld [smem:$0x3FAE]  }
0x2e: {  	s3 =	simm.s32 @!p0 $0x1082;
	s9 =	sld [smem:$0x3FAF]  }
0x2f: {  	lr =	sadd.s32 s0, s3;
	s0 =	sld [smem:$0x3FA6]  }
0x30: {  	s3 =	sld [smem:$0x3FA9]  }
0x31: {  	[smem:$0x3FB2] =	sst s10  }
0x32: {  	s10 =	sld [smem:$0x3FB0];
	_ =	sdelay $0x3  }
0x33: {  	p0 =	seq.s32 s10, $0x1;
	s10 =	sld [smem:$0x3FB2];
	_ =	sdelay $0x3  }
0x34: {  	[smem:$0x3FB2] =	sst s10  }
0x35: {  	s10 =	sld [smem:$0x3FB1];
	_ =	sdelay $0x3  }
0x36: {  	p1 =	seq.s32 s10, $0x1;
	s10 =	sld [smem:$0x3FB2];
	_ =	sdelay $0x3  }
0x37: {  	[smem:$0x3FB2] =	sst s10  }
0x38: {  	s10 =	sld [smem:$0x3FB3]  }
0x39: {  	_ = 	snop;
	(pc) =	sbr.ind lr, $3  }
0x3a: {  	_ = 	snop  }
0x3b: {  	_ = 	snop  }
0x3c: {  	p2 =	seq.s32 s10, $0x1;
	s10 =	sld [smem:$0x3FB2]  }
0x3d: {  	_ =	shalt  }
0x3e: {  	_ =	shalt  }
0x3f: {  	_ =	shalt  }
0x40: {  	_ =	shalt  }
0x41: {  	_ =	shalt  }
0x42: {  	_ =	shalt  }
0x43: {  	_ =	shalt  }
0x44: {  	_ =	shalt  }
0x45: {  	_ =	shalt  }
0x46: {  	_ =	shalt  }
0x47: {  	_ =	shalt  }
0x48: {  	_ =	shalt  }
0x49: {  	_ =	shalt  }
0x4a: {  	_ =	shalt  }
0x4b: {  	_ =	shalt  }
0x4c: {  	_ =	shalt  }
0x4d: {  	_ =	shalt  }
0x4e: {  	_ =	shalt  }
0x4f: {  	_ =	shalt  }
0x50: {  	_ =	shalt  }
0x51: {  	_ =	shalt  }
0x52: {  	_ =	shalt  }
0x53: {  	_ =	shalt  }
0x54: {  	_ =	shalt  }
0x55: {  	_ =	shalt  }
0x56: {  	_ =	shalt  }
0x57: {  	_ =	shalt  }
0x58: {  	_ =	shalt  }
0x59: {  	_ =	shalt  }
0x5a: {  	_ =	shalt  }
0x5b: {  	_ =	shalt  }
0x5c: {  	_ =	shalt  }
0x5d: {  	_ =	shalt  }
0x5e: {  	_ =	shalt  }
0x5f: {  	_ =	shalt  }
0x60: {  	_ =	shalt  }
0x61: {  	_ =	shalt  }
0x62: {  	_ =	shalt  }
0x63: {  	_ =	shalt  }
0x64: {  	_ =	shalt  }
0x65: {  	_ =	shalt  }
0x66: {  	_ =	shalt  }
0x67: {  	_ =	shalt  }
0x68: {  	_ =	shalt  }
0x69: {  	_ =	shalt  }
0x6a: {  	_ =	shalt  }
0x6b: {  	_ =	shalt  }
0x6c: {  	_ =	shalt  }
0x6d: {  	_ =	shalt  }
0x6e: {  	_ =	shalt  }
0x6f: {  	_ =	shalt  }
0x70: {  	_ =	shalt  }
0x71: {  	_ =	shalt  }
0x72: {  	_ =	shalt  }
0x73: {  	_ =	shalt  }
0x74: {  	_ =	shalt  }
0x75: {  	_ =	shalt  }
0x76: {  	_ =	shalt  }
0x77: {  	_ =	shalt  }
0x78: {  	_ =	shalt  }
0x79: {  	_ =	shalt  }
0x7a: {  	_ =	shalt  }
0x7b: {  	_ =	shalt  }
0x7c: {  	_ =	shalt  }
0x7d: {  	_ =	shalt  }
0x7e: {  	_ =	shalt  }
0x7f: {  	_ =	shalt  }
0x80: {  	_ =	shalt  }
0x81: {  	_ =	shalt  }
0x82: {  	_ =	shalt  }
0x83: {  	_ =	shalt  }
0x84: {  	_ =	shalt  }
0x85: {  	_ =	shalt  }
0x86: {  	_ =	shalt  }
0x87: {  	_ =	shalt  }
.Lfunc_end0:
.L_simem_size_0:
called_computation_lowered:
.L_overlay_start_0:
0x88: {  	s2 =	sld [smem:$0x3FD9]  }
0x89: {  	s3 =	sld [smem:$0x3FFE];
	_ =	sdelay $0x1  }
0x8a: {  	s1 =	srdreg.scid  }
0x8b: {  	s0 =	sand.u32 $0x1, s1  }
0x8c: {  	s15 =	sshll.u32 s0, $0xA;
	s2 =	sadd.s32 s3, s2  }
0x8d: {  	s2 =	sadd.s32 s2, s15  }
0x8e: {  	[smem:$0x3FBE] =	sst s2  }
0x8f: {  	_ = 	snop  }
0x90: {  	s2 =	sld [smem:$0x3FD0];
	_ =	sdelay $0x2  }
0x91: {  	s4 =	simm.s32 $0xA;
	s5 =	simm.s32 $0x10;
	s16 =	sld [smem:$0x3FC4]  }
0x92: {  	[smem:s5], [sflag:s4] =	dma.local [hbm:s2], $0x1  }
0x93: {  	_ =	swait.eq [sflag:s4], $0x1  }
0x94: {  	[sflag:s4] =	ssyncset.done $0x0  }
0x95: {  	s17 =	sld [smem:$0x12];
	[sflag:s4] =	ssyncadd.s32 $0xFFFFFFFF  }
0x96: {  	s18 =	sld [smem:$0x13];
	(tm) =	ssettm $0x1  }
0x97: {  	s19 =	sld [smem:$0x3FFB];
	_ =	sdelay $0x3  }
0x98: {  	_ =	strace s19  }
0x99: {  	s5 =	sld [smem:$0x3FFC];
	_ =	sdelay $0x3  }
0x9a: {  	_ =	strace s5  }
0x9b: {  	s5 =	sld [smem:$0x3FFD];
	_ =	sdelay $0x3  }
0x9c: {  	_ =	strace s5  }
0x9d: {  	_ =	strace $0x8FFFFFFF  }
0x9e: {  	s20 =	sld [smem:$0x3FDB];
	_ =	sdelay $0x1  }
0x9f: {  	s6 =	simm.s32 $_scs_section_size  }
0xa0: {  	s7 =	simm.s32 $_size__tile_overlayer_lowered;
	s8 =	simm.s32 $_tile_overlayer_lowered  }
0xa1: {  	s23 =	simm.s32 $0x1BFF;
	s22 =	sshll.u32 s8, $0x1;
	s5 =	sadd.s32 s6, s20  }
0xa2: {  	s9 =	simm.s32 $0x0;
	s21 =	sshll.u32 s7, $0x1;
	s7 =	sadd.s32 s22, s5  }
0xa3: {  	[timem:s9], [sflag:s23] =	dma.local [hbm:s7], s21  }
0xa4: {  	_ =	swait.ge [sflag:s23], s21  }
0xa5: {  	s6 =	ssub.s32 $0x0, s21;
	[sflag:s23] =	ssyncset.done $0x0  }
0xa6: {  	[sflag:s23] =	ssyncadd.s32 s6;
	_ =	sdelay $0x1  }
0xa7: {  	s24 =	simm.s32 $0x1B8B  }
0xa8: {  	_ =	swait.ge [sflag:s24], $0x1  }
0xa9: {  	[sflag:s24] =	ssyncset.done $0x0  }
0xaa: {  	s25 =	simm.s32 $0x1B8E;
	[sflag:s24] =	ssyncadd.s32 $0xFFFFFFFF  }
0xab: {  	s26 =	simm.s32 $execute0_lowered;
	[smem:$0x3FD2] =	sst s25  }
0xac: {  	s6 =	sshll.u32 s26, $0x1;
	_ =	strace $0x80000046;
	[dreg:$0x1] =	wrdreg $0xFFFFFFFF  }
0xad: {  	s28 =	simm.s32 $_size_execute0_lowered;
	s5 =	sadd.s32 s5, s6;
	[dreg:$0x0] =	wrdreg $0x0  }
0xae: {  	s6 =	sshll.u32 s28, $0x1;
	[dreg:$0x2] =	wrdreg s5  }
0xaf: {  	[dreg:$0x3] =	wrdreg s6  }
0xb0: {  	[dreg:$0x4] =	wrdreg $0xC0  }
0xb1: {  	_ =	task [dreg:s9], $0x5FFFF  }
0xb2: {  	[dreg:$0x1] =	wrdreg $0xFFFFFFFF  }
0xb3: {  	[dreg:$0x0] =	wrdreg $0x60  }
0xb4: {  	[dreg:$0x2] =	wrdreg s16  }
0xb5: {  	[dreg:$0x3] =	wrdreg s18  }
0xb6: {  	[dreg:$0x4] =	wrdreg s17  }
0xb7: {  	[dreg:$0x5] =	wrdreg $0x9  }
0xb8: {  	_ =	task.clear_ibuf [dreg:s9], $0x6FFFF;
	_ =	strace $0x90000046  }
0xb9: {  	s29 =	simm.s32 $0x9;
	_ =	strace $0x80000048  }
0xba: {  	_ =	swait.ge [sflag:s29], $0x1  }
0xbb: {  	[sflag:s29] =	ssyncadd.s32 $0xFFFFFFFF  }
0xbc: {  	_ =	strace $0x90000048  }
0xbd: {  	_ =	sfence  }
0xbe: {  	s30 =	sld [smem:$0x0];
	_ =	sdelay $0x2  }
0xbf: {  	s31 =	sshll.u32 s1, $0xD;
	s1 =	sshrl.u32 s1, $0x2  }
0xc0: {  	s3 =	sand.u32 $0x4000, s31;
	s1 =	sadd.s32 s1, s30  }
0xc1: {  	s0 =	sor.u32 s3, s0;
	s1 =	sshll.u32 s1, $0x11  }
0xc2: {  	s0 =	sor.u32 s1, s0  }
0xc3: {  	s0 =	sadd.s32 $0x8F2B, s0  }
0xc4: {  	[sflag:s0] =	ssyncadd.remote.s32 $0x1  }
0xc5: {  	_ =	sfence.sel $0xFFFF  }
0xc6: {  	[dreg:$0x0] =	wrdreg $0xFFFFFFFF;
	(pc) =	sbr.abs _section_cstart, $3  }
0xc7: {  	[dreg:$0x1] =	wrdreg $0xFFFFFFFF  }
0xc8: {  	_ =	task.clear_ibuf [dreg:s9], $0x2FFFF;
	_ =	strace $0x9FFFFFFF  }
0xc9: {  	(tm) =	ssettm $0x7FFFFFFF  }
tec
execute0_lowered:
.L_overlay_start_1:
0x0: {  	(tag) =	ssettag $0x1  }
0x1: {  	s1 =	rddreg [dreg:$0x0]  }
0x2: {  	s0 =	srdreg.scid;
	s2 =	rddreg [dreg:$0x1]  }
0x3: {  	s3 =	stileid.u32;
	s4 =	rddreg [dreg:$0x2];
	s15 =	simm.s32 $0x3  }
0x4: {  	s16 =	simm.s32 $0x4;
	s17 =	simm.s32 $0x5;
	s19 =	simm.s32 $0xA00  }
0x5: {  	s20 =	simm.s32 $0x1200;
	s21 =	simm.s32 $0x1A00;
	s22 =	simm.s32 $0x2200  }
0x6: {  	s28 =	simm.s32 $0x4200;
	s29 =	simm.s32 $0x4A00;
	s30 =	simm.s32 $0x5200  }
0x7: {  	s31 =	simm.s32 $0x5A00;
	s8 =	simm.s32 $0x7200;
	s9 =	simm.s32 $0x7A00  }
0x8: {  	s10 =	simm.s32 $0x8A00;
	s11 =	simm.s32 $0x9200;
	s0 =	sand.u32 $0x1, s0  }
0x9: {  	s12 =	simm.s32 $0xA200;
	s5 =	sshll.u32 s3, $0xA;
	s6 =	sshll.u32 s0, $0x9  }
0xa: {  	s13 =	simm.s32 $0xAA00;
	s3 =	simm.s32 $0x0;
	s5 =	sor.u32 s6, s5  }
0xb: {  	[smem:$0x7FF] =	sst s3;
	s0 =	ssub.s32 $0x2, s0;
	s6 =	sshrl.u32 s5, $0x3  }
0xc: {  	_ =	strace $0x80000047;
	s5 =	sshll.u32 s5, $0x5;
	s2 =	sadd.s32 s2, s6  }
0xd: {  	s24 =	sshrl.u32 s0, $0x1;
	s4 =	sadd.s32 s4, s5;
	[dreg:$0x4] =	wrdreg s2  }
0xe: {  	s0 =	ssub.s32 s0, s24;
	s23 =	sadd.s32 $0x1000, s4;
	[dreg:$0x8] =	wrdreg s4  }
0xf: {  	s24 =	simm.s32 $0x2A00;
	s25 =	sadd.s32 $0x2000, s4;
	[dreg:$0x5] =	wrdreg s23  }
0x10: {  	v2 =	vlaneseq.u32;
	s5 =	smax.u32 s0, $0x1;
	s26 =	sadd.s32 $0x3000, s4;
	[dreg:$0x6] =	wrdreg s25  }
0x11: {  	vm0 =	vmmov $0xffff;
	v1 =	vshrl.u32 v2, $0x3;
	s6 =	simm.s32 $0x2;
	s4 =	simm.s32 $0x6A00;
	[dreg:$0x7] =	wrdreg s26  }
0x12: {  	v0 =	vand.u32 $0x7, v2;
	v2 =	vor.u32 $0x8, v2;
	v1 =	vmul.u32 $0x8, v1;
	s25 =	simm.s32 $0x3200;
	s26 =	simm.s32 $0x3A00;
	s23 =	simm.s32 $0x9A00  }
.LBB2_1:
0x13: {  	s18 =	rddreg [dreg:$0x4];
	s0 =	simm.s32 $0x1  }
0x14: {  	[tilespmem:s3], [sflag:$0x1] =	stream.linear.gather [hbm4b:s18+s3], $0x200, $0x38;
	[tilespmem:$0x10200] =	vst v63  }
0x15: {  	_ =	swait.ge [sflag:s0], $0x200  }
0x16: {  	[sflag:s0] =	ssyncset.done $0x0  }
0x17: {  	[sflag:s0] =	ssyncadd.s32 $0xFFFFFE00  }
0x18: {  	v3 =	vld [tilespmem:$0x0];
	_ =	sdelay $0x4  }
0x19: {  	v4 =	vshll.u32 v3, $0x1  }
0x1a: {  	v3 =	vand.u32 $0x7, v3;
	v4 =	vand.u32 $0xFFFFFFF0, v4  }
0x1b: {  	v3 =	vor.u32 v3, v4  }
0x1c: {  	v4 =	vperm.xlane v3, v0;
	_ =	sdelay $0x1  }
0x1d: {  	v3 =	vperm.xlane v3, v2;
	v4 =	vadd.s32 v1, v4;
	_ =	sdelay $0x1  }
0x1e: {  	v3 =	vadd.s32 v1, v3;
	_ =	sdelay $0x1  }
0x1f: {  	s14 =	simm.s32 $0x200  }
0x20: {  	[tilespmem:s14], [sflag:$0x2] =	stream.indirect_vreg.gather [hbm4b:s1+s3], $0x80, v4, vm0, $0xb8;
	[tilespmem:$0x10200] =	vst v63  }
0x21: {  	_ = 	snop  }
0x22: {  	[tilespmem:s19], [sflag:$0x2] =	stream.indirect_vreg.gather [hbm4b:s1+s3], $0x80, v3, vm0, $0xb8;
	[tilespmem:$0x10200] =	vst v63  }
0x23: {  	v3 =	vld [tilespmem:$0x10];
	_ =	sdelay $0x4  }
0x24: {  	v33 =	vshll.u32 v3, $0x1  }
0x25: {  	v3 =	vand.u32 $0x7, v3;
	v4 =	vand.u32 $0xFFFFFFF0, v33  }
0x26: {  	v3 =	vor.u32 v3, v4  }
0x27: {  	v4 =	vperm.xlane v3, v0;
	_ =	sdelay $0x1  }
0x28: {  	v3 =	vperm.xlane v3, v2;
	v4 =	vadd.s32 v1, v4;
	_ =	sdelay $0x1  }
0x29: {  	v3 =	vadd.s32 v1, v3;
	_ =	sdelay $0x2  }
0x2a: {  	[tilespmem:s20], [sflag:$0x2] =	stream.indirect_vreg.gather [hbm4b:s1+s3], $0x80, v4, vm0, $0xb8;
	[tilespmem:$0x10200] =	vst v63  }
0x2b: {  	_ = 	snop  }
0x2c: {  	[tilespmem:s21], [sflag:$0x2] =	stream.indirect_vreg.gather [hbm4b:s1+s3], $0x80, v3, vm0, $0xb8;
	[tilespmem:$0x10200] =	vst v63  }
0x2d: {  	v3 =	vld [tilespmem:$0x20];
	_ =	sdelay $0x4  }
0x2e: {  	v34 =	vshll.u32 v3, $0x1  }
0x2f: {  	v3 =	vand.u32 $0x7, v3;
	v4 =	vand.u32 $0xFFFFFFF0, v34  }
0x30: {  	v3 =	vor.u32 v3, v4  }
0x31: {  	v4 =	vperm.xlane v3, v0;
	_ =	sdelay $0x1  }
0x32: {  	v3 =	vperm.xlane v3, v2;
	v4 =	vadd.s32 v1, v4;
	_ =	sdelay $0x1  }
0x33: {  	v3 =	vadd.s32 v1, v3;
	_ =	sdelay $0x2  }
0x34: {  	[tilespmem:s22], [sflag:$0x2] =	stream.indirect_vreg.gather [hbm4b:s1+s3], $0x80, v4, vm0, $0xb8;
	[tilespmem:$0x10200] =	vst v63  }
0x35: {  	_ = 	snop  }
0x36: {  	[tilespmem:s24], [sflag:$0x2] =	stream.indirect_vreg.gather [hbm4b:s1+s3], $0x80, v3, vm0, $0xb8;
	[tilespmem:$0x10200] =	vst v63  }
0x37: {  	v3 =	vld [tilespmem:$0x30];
	_ =	sdelay $0x4  }
0x38: {  	v35 =	vshll.u32 v3, $0x1  }
0x39: {  	v3 =	vand.u32 $0x7, v3;
	v4 =	vand.u32 $0xFFFFFFF0, v35  }
0x3a: {  	v3 =	vor.u32 v3, v4  }
0x3b: {  	v4 =	vperm.xlane v3, v0;
	_ =	sdelay $0x1  }
0x3c: {  	v3 =	vperm.xlane v3, v2;
	v4 =	vadd.s32 v1, v4;
	_ =	sdelay $0x1  }
0x3d: {  	v3 =	vadd.s32 v1, v3;
	_ =	sdelay $0x2  }
0x3e: {  	[tilespmem:s25], [sflag:$0x2] =	stream.indirect_vreg.gather [hbm4b:s1+s3], $0x80, v4, vm0, $0xb8;
	[tilespmem:$0x10200] =	vst v63  }
0x3f: {  	_ = 	snop  }
0x40: {  	[tilespmem:s26], [sflag:$0x2] =	stream.indirect_vreg.gather [hbm4b:s1+s3], $0x80, v3, vm0, $0xb8;
	[tilespmem:$0x10200] =	vst v63  }
0x41: {  	v3 =	vld [tilespmem:$0x40];
	_ =	sdelay $0x4  }
0x42: {  	v36 =	vshll.u32 v3, $0x1  }
0x43: {  	v3 =	vand.u32 $0x7, v3;
	v4 =	vand.u32 $0xFFFFFFF0, v36  }
0x44: {  	v3 =	vor.u32 v3, v4  }
0x45: {  	v4 =	vperm.xlane v3, v0;
	_ =	sdelay $0x1  }
0x46: {  	v3 =	vperm.xlane v3, v2;
	v4 =	vadd.s32 v1, v4;
	_ =	sdelay $0x1  }
0x47: {  	v3 =	vadd.s32 v1, v3;
	_ =	sdelay $0x2  }
0x48: {  	[tilespmem:s28], [sflag:$0x2] =	stream.indirect_vreg.gather [hbm4b:s1+s3], $0x80, v4, vm0, $0xb8;
	[tilespmem:$0x10200] =	vst v63  }
0x49: {  	_ = 	snop  }
0x4a: {  	[tilespmem:s29], [sflag:$0x2] =	stream.indirect_vreg.gather [hbm4b:s1+s3], $0x80, v3, vm0, $0xb8;
	[tilespmem:$0x10200] =	vst v63  }
0x4b: {  	v3 =	vld [tilespmem:$0x50];
	_ =	sdelay $0x4  }
0x4c: {  	v37 =	vshll.u32 v3, $0x1  }
0x4d: {  	v3 =	vand.u32 $0x7, v3;
	v4 =	vand.u32 $0xFFFFFFF0, v37  }
0x4e: {  	v3 =	vor.u32 v3, v4  }
0x4f: {  	v4 =	vperm.xlane v3, v0;
	_ =	sdelay $0x1  }
0x50: {  	v3 =	vperm.xlane v3, v2;
	v4 =	vadd.s32 v1, v4;
	_ =	sdelay $0x1  }
0x51: {  	v3 =	vadd.s32 v1, v3;
	_ =	sdelay $0x2  }
0x52: {  	[tilespmem:s30], [sflag:$0x2] =	stream.indirect_vreg.gather [hbm4b:s1+s3], $0x80, v4, vm0, $0xb8;
	[tilespmem:$0x10200] =	vst v63  }
0x53: {  	_ = 	snop  }
0x54: {  	[tilespmem:s31], [sflag:$0x2] =	stream.indirect_vreg.gather [hbm4b:s1+s3], $0x80, v3, vm0, $0xb8;
	[tilespmem:$0x10200] =	vst v63  }
0x55: {  	v3 =	vld [tilespmem:$0x60];
	_ =	sdelay $0x4  }
0x56: {  	v38 =	vshll.u32 v3, $0x1  }
0x57: {  	v3 =	vand.u32 $0x7, v3;
	v4 =	vand.u32 $0xFFFFFFF0, v38  }
0x58: {  	v3 =	vor.u32 v3, v4  }
0x59: {  	v4 =	vperm.xlane v3, v0;
	_ =	sdelay $0x1  }
0x5a: {  	v3 =	vperm.xlane v3, v2;
	v4 =	vadd.s32 v1, v4;
	_ =	sdelay $0x1  }
0x5b: {  	v3 =	vadd.s32 v1, v3;
	_ =	sdelay $0x1  }
0x5c: {  	s2 =	simm.s32 $0x6200  }
0x5d: {  	[tilespmem:s2], [sflag:$0x2] =	stream.indirect_vreg.gather [hbm4b:s1+s3], $0x80, v4, vm0, $0xb8;
	[tilespmem:$0x10200] =	vst v63  }
0x5e: {  	_ = 	snop  }
0x5f: {  	[tilespmem:s4], [sflag:$0x2] =	stream.indirect_vreg.gather [hbm4b:s1+s3], $0x80, v3, vm0, $0xb8;
	[tilespmem:$0x10200] =	vst v63  }
0x60: {  	v3 =	vld [tilespmem:$0x70];
	_ =	sdelay $0x4  }
0x61: {  	v39 =	vshll.u32 v3, $0x1  }
0x62: {  	v3 =	vand.u32 $0x7, v3;
	v4 =	vand.u32 $0xFFFFFFF0, v39  }
0x63: {  	v3 =	vor.u32 v3, v4  }
0x64: {  	v4 =	vperm.xlane v3, v0;
	_ =	sdelay $0x1  }
0x65: {  	v3 =	vperm.xlane v3, v2;
	v4 =	vadd.s32 v1, v4;
	_ =	sdelay $0x1  }
0x66: {  	v3 =	vadd.s32 v1, v3;
	_ =	sdelay $0x2  }
0x67: {  	[tilespmem:s8], [sflag:$0x2] =	stream.indirect_vreg.gather [hbm4b:s1+s3], $0x80, v4, vm0, $0xb8;
	[tilespmem:$0x10200] =	vst v63  }
0x68: {  	_ = 	snop  }
0x69: {  	[tilespmem:s9], [sflag:$0x2] =	stream.indirect_vreg.gather [hbm4b:s1+s3], $0x80, v3, vm0, $0xb8;
	[tilespmem:$0x10200] =	vst v63  }
0x6a: {  	v3 =	vld [tilespmem:$0x80];
	_ =	sdelay $0x4  }
0x6b: {  	v40 =	vshll.u32 v3, $0x1  }
0x6c: {  	v3 =	vand.u32 $0x7, v3;
	v4 =	vand.u32 $0xFFFFFFF0, v40  }
0x6d: {  	v3 =	vor.u32 v3, v4  }
0x6e: {  	v4 =	vperm.xlane v3, v0;
	_ =	sdelay $0x1  }
0x6f: {  	v3 =	vperm.xlane v3, v2;
	v4 =	vadd.s32 v1, v4;
	_ =	sdelay $0x1  }
0x70: {  	v3 =	vadd.s32 v1, v3;
	_ =	sdelay $0x1  }
0x71: {  	s0 =	simm.s32 $0x8200  }
0x72: {  	[tilespmem:s0], [sflag:$0x3] =	stream.indirect_vreg.gather [hbm4b:s1+s3], $0x80, v4, vm0, $0xb8;
	[tilespmem:$0x10200] =	vst v63  }
0x73: {  	_ = 	snop  }
0x74: {  	[tilespmem:s10], [sflag:$0x3] =	stream.indirect_vreg.gather [hbm4b:s1+s3], $0x80, v3, vm0, $0xb8;
	[tilespmem:$0x10200] =	vst v63  }
0x75: {  	v3 =	vld [tilespmem:$0x90];
	_ =	sdelay $0x4  }
0x76: {  	v41 =	vshll.u32 v3, $0x1  }
0x77: {  	v3 =	vand.u32 $0x7, v3;
	v4 =	vand.u32 $0xFFFFFFF0, v41  }
0x78: {  	v3 =	vor.u32 v3, v4  }
0x79: {  	v4 =	vperm.xlane v3, v0;
	_ =	sdelay $0x1  }
0x7a: {  	v3 =	vperm.xlane v3, v2;
	v4 =	vadd.s32 v1, v4;
	_ =	sdelay $0x1  }
0x7b: {  	v3 =	vadd.s32 v1, v3;
	_ =	sdelay $0x2  }
0x7c: {  	[tilespmem:s11], [sflag:$0x3] =	stream.indirect_vreg.gather [hbm4b:s1+s3], $0x80, v4, vm0, $0xb8;
	[tilespmem:$0x10200] =	vst v63  }
0x7d: {  	_ = 	snop  }
0x7e: {  	[tilespmem:s23], [sflag:$0x3] =	stream.indirect_vreg.gather [hbm4b:s1+s3], $0x80, v3, vm0, $0xb8;
	[tilespmem:$0x10200] =	vst v63  }
0x7f: {  	v3 =	vld [tilespmem:$0xA0];
	_ =	sdelay $0x4  }
0x80: {  	v42 =	vshll.u32 v3, $0x1  }
0x81: {  	v3 =	vand.u32 $0x7, v3;
	v4 =	vand.u32 $0xFFFFFFF0, v42  }
0x82: {  	v3 =	vor.u32 v3, v4  }
0x83: {  	v4 =	vperm.xlane v3, v0;
	_ =	sdelay $0x1  }
0x84: {  	v3 =	vperm.xlane v3, v2;
	v4 =	vadd.s32 v1, v4;
	_ =	sdelay $0x1  }
0x85: {  	v3 =	vadd.s32 v1, v3;
	_ =	sdelay $0x2  }
0x86: {  	[tilespmem:s12], [sflag:$0x3] =	stream.indirect_vreg.gather [hbm4b:s1+s3], $0x80, v4, vm0, $0xb8;
	[tilespmem:$0x10200] =	vst v63  }
0x87: {  	_ = 	snop  }
0x88: {  	[tilespmem:s13], [sflag:$0x3] =	stream.indirect_vreg.gather [hbm4b:s1+s3], $0x80, v3, vm0, $0xb8;
	[tilespmem:$0x10200] =	vst v63  }
0x89: {  	v3 =	vld [tilespmem:$0xB0];
	_ =	sdelay $0x4  }
0x8a: {  	v43 =	vshll.u32 v3, $0x1  }
0x8b: {  	v3 =	vand.u32 $0x7, v3;
	v4 =	vand.u32 $0xFFFFFFF0, v43  }
0x8c: {  	v3 =	vor.u32 v3, v4  }
0x8d: {  	v4 =	vperm.xlane v3, v0;
	_ =	sdelay $0x1  }
0x8e: {  	v3 =	vperm.xlane v3, v2;
	v4 =	vadd.s32 v1, v4;
	_ =	sdelay $0x1  }
0x8f: {  	v3 =	vadd.s32 v1, v3;
	_ =	sdelay $0x1  }
0x90: {  	s7 =	simm.s32 $0xB200  }
0x91: {  	[tilespmem:s7], [sflag:$0x3] =	stream.indirect_vreg.gather [hbm4b:s1+s3], $0x80, v4, vm0, $0xb8;
	[tilespmem:$0x10200] =	vst v63  }
0x92: {  	s7 =	simm.s32 $0xBA00  }
0x93: {  	[tilespmem:s7], [sflag:$0x3] =	stream.indirect_vreg.gather [hbm4b:s1+s3], $0x80, v3, vm0, $0xb8;
	[tilespmem:$0x10200] =	vst v63  }
0x94: {  	v3 =	vld [tilespmem:$0xC0];
	_ =	sdelay $0x4  }
0x95: {  	v44 =	vshll.u32 v3, $0x1  }
0x96: {  	v3 =	vand.u32 $0x7, v3;
	v4 =	vand.u32 $0xFFFFFFF0, v44  }
0x97: {  	v3 =	vor.u32 v3, v4  }
0x98: {  	v4 =	vperm.xlane v3, v0;
	_ =	sdelay $0x1  }
0x99: {  	v3 =	vperm.xlane v3, v2;
	v4 =	vadd.s32 v1, v4;
	_ =	sdelay $0x1  }
0x9a: {  	v3 =	vadd.s32 v1, v3;
	_ =	sdelay $0x1  }
0x9b: {  	s14 =	simm.s32 $0xC200  }
0x9c: {  	[tilespmem:s14], [sflag:$0x3] =	stream.indirect_vreg.gather [hbm4b:s1+s3], $0x80, v4, vm0, $0xb8;
	[tilespmem:$0x10200] =	vst v63  }
0x9d: {  	s18 =	simm.s32 $0xCA00  }
0x9e: {  	[tilespmem:s18], [sflag:$0x3] =	stream.indirect_vreg.gather [hbm4b:s1+s3], $0x80, v3, vm0, $0xb8;
	[tilespmem:$0x10200] =	vst v63  }
0x9f: {  	v3 =	vld [tilespmem:$0xD0];
	_ =	sdelay $0x4  }
0xa0: {  	v45 =	vshll.u32 v3, $0x1  }
0xa1: {  	v3 =	vand.u32 $0x7, v3;
	v4 =	vand.u32 $0xFFFFFFF0, v45  }
0xa2: {  	v3 =	vor.u32 v3, v4  }
0xa3: {  	v4 =	vperm.xlane v3, v0;
	_ =	sdelay $0x1  }
0xa4: {  	v3 =	vperm.xlane v3, v2;
	v4 =	vadd.s32 v1, v4;
	_ =	sdelay $0x1  }
0xa5: {  	v3 =	vadd.s32 v1, v3;
	_ =	sdelay $0x1  }
0xa6: {  	s18 =	simm.s32 $0xD200  }
0xa7: {  	[tilespmem:s18], [sflag:$0x3] =	stream.indirect_vreg.gather [hbm4b:s1+s3], $0x80, v4, vm0, $0xb8;
	[tilespmem:$0x10200] =	vst v63  }
0xa8: {  	s18 =	simm.s32 $0xDA00  }
0xa9: {  	[tilespmem:s18], [sflag:$0x3] =	stream.indirect_vreg.gather [hbm4b:s1+s3], $0x80, v3, vm0, $0xb8;
	[tilespmem:$0x10200] =	vst v63  }
0xaa: {  	v3 =	vld [tilespmem:$0xE0];
	_ =	sdelay $0x4  }
0xab: {  	v46 =	vshll.u32 v3, $0x1  }
0xac: {  	v3 =	vand.u32 $0x7, v3;
	v4 =	vand.u32 $0xFFFFFFF0, v46  }
0xad: {  	v3 =	vor.u32 v3, v4  }
0xae: {  	v4 =	vperm.xlane v3, v0;
	_ =	sdelay $0x1  }
0xaf: {  	v3 =	vperm.xlane v3, v2;
	v4 =	vadd.s32 v1, v4;
	_ =	sdelay $0x1  }
0xb0: {  	v3 =	vadd.s32 v1, v3;
	_ =	sdelay $0x1  }
0xb1: {  	s18 =	simm.s32 $0xE200  }
0xb2: {  	[tilespmem:s18], [sflag:$0x3] =	stream.indirect_vreg.gather [hbm4b:s1+s3], $0x80, v4, vm0, $0xb8;
	[tilespmem:$0x10200] =	vst v63  }
0xb3: {  	s18 =	simm.s32 $0xEA00  }
0xb4: {  	[tilespmem:s18], [sflag:$0x3] =	stream.indirect_vreg.gather [hbm4b:s1+s3], $0x80, v3, vm0, $0xb8;
	[tilespmem:$0x10200] =	vst v63  }
0xb5: {  	v3 =	vld [tilespmem:$0xF0];
	_ =	sdelay $0x4  }
0xb6: {  	v47 =	vshll.u32 v3, $0x1  }
0xb7: {  	v3 =	vand.u32 $0x7, v3;
	v4 =	vand.u32 $0xFFFFFFF0, v47  }
0xb8: {  	v3 =	vor.u32 v3, v4  }
0xb9: {  	v4 =	vperm.xlane v3, v0;
	_ =	sdelay $0x1  }
0xba: {  	v3 =	vperm.xlane v3, v2;
	v4 =	vadd.s32 v1, v4;
	_ =	sdelay $0x1  }
0xbb: {  	v3 =	vadd.s32 v1, v3;
	_ =	sdelay $0x1  }
0xbc: {  	s18 =	simm.s32 $0xF200  }
0xbd: {  	[tilespmem:s18], [sflag:$0x3] =	stream.indirect_vreg.gather [hbm4b:s1+s3], $0x80, v4, vm0, $0xb8;
	[tilespmem:$0x10200] =	vst v63  }
0xbe: {  	s18 =	simm.s32 $0xFA00  }
0xbf: {  	[tilespmem:s18], [sflag:$0x3] =	stream.indirect_vreg.gather [hbm4b:s1+s3], $0x80, v3, vm0, $0xb8;
	[tilespmem:$0x10200] =	vst v63  }
0xc0: {  	_ =	swait.ge [sflag:s6], $0x8000  }
0xc1: {  	[sflag:s6] =	ssyncset.done $0x0  }
0xc2: {  	s14 =	simm.s32 $0x200;
	s18 =	rddreg [dreg:$0x8];
	[sflag:s6] =	ssyncadd.s32 $0xFFFF8000  }
0xc3: {  	[hbm4b:s18+s3] =	stream.linear.scatter [tilespmem:s14], [sflag:$0x4], $0x8000, $0x38;
	[tilespmem:$0x10200] =	vst v63  }
0xc4: {  	_ =	swait.ge [sflag:s15], $0x8000  }
0xc5: {  	[sflag:s15] =	ssyncset.done $0x0  }
0xc6: {  	s18 =	rddreg [dreg:$0x5];
	[sflag:s15] =	ssyncadd.s32 $0xFFFF8000  }
0xc7: {  	[hbm4b:s18+s3] =	stream.linear.scatter [tilespmem:s0], [sflag:$0x5], $0x8000, $0x38;
	[tilespmem:$0x10200] =	vst v63  }
0xc8: {  	_ =	swait.ge [sflag:s16], $0x8000  }
0xc9: {  	[sflag:s16] =	ssyncset.done $0x0  }
0xca: {  	[sflag:s16] =	ssyncadd.s32 $0xFFFF8000  }
0xcb: {  	v3 =	vld [tilespmem:$0x100];
	_ =	sdelay $0x4  }
0xcc: {  	v48 =	vshll.u32 v3, $0x1  }
0xcd: {  	v3 =	vand.u32 $0x7, v3;
	v4 =	vand.u32 $0xFFFFFFF0, v48  }
0xce: {  	v3 =	vor.u32 v3, v4  }
0xcf: {  	v4 =	vperm.xlane v3, v0;
	_ =	sdelay $0x1  }
0xd0: {  	v3 =	vperm.xlane v3, v2;
	v4 =	vadd.s32 v1, v4;
	_ =	sdelay $0x1  }
0xd1: {  	v3 =	vadd.s32 v1, v3;
	_ =	sdelay $0x2  }
0xd2: {  	[tilespmem:s14], [sflag:$0x2] =	stream.indirect_vreg.gather [hbm4b:s1+s3], $0x80, v4, vm0, $0xb8;
	[tilespmem:$0x10200] =	vst v63  }
0xd3: {  	_ = 	snop  }
0xd4: {  	[tilespmem:s19], [sflag:$0x2] =	stream.indirect_vreg.gather [hbm4b:s1+s3], $0x80, v3, vm0, $0xb8;
	[tilespmem:$0x10200] =	vst v63  }
0xd5: {  	v3 =	vld [tilespmem:$0x110];
	_ =	sdelay $0x4  }
0xd6: {  	v49 =	vshll.u32 v3, $0x1  }
0xd7: {  	v3 =	vand.u32 $0x7, v3;
	v4 =	vand.u32 $0xFFFFFFF0, v49  }
0xd8: {  	v3 =	vor.u32 v3, v4  }
0xd9: {  	v4 =	vperm.xlane v3, v0;
	_ =	sdelay $0x1  }
0xda: {  	v3 =	vperm.xlane v3, v2;
	v4 =	vadd.s32 v1, v4;
	_ =	sdelay $0x1  }
0xdb: {  	v3 =	vadd.s32 v1, v3;
	_ =	sdelay $0x2  }
0xdc: {  	[tilespmem:s20], [sflag:$0x2] =	stream.indirect_vreg.gather [hbm4b:s1+s3], $0x80, v4, vm0, $0xb8;
	[tilespmem:$0x10200] =	vst v63  }
0xdd: {  	_ = 	snop  }
0xde: {  	[tilespmem:s21], [sflag:$0x2] =	stream.indirect_vreg.gather [hbm4b:s1+s3], $0x80, v3, vm0, $0xb8;
	[tilespmem:$0x10200] =	vst v63  }
0xdf: {  	v3 =	vld [tilespmem:$0x120];
	_ =	sdelay $0x4  }
0xe0: {  	v50 =	vshll.u32 v3, $0x1  }
0xe1: {  	v3 =	vand.u32 $0x7, v3;
	v4 =	vand.u32 $0xFFFFFFF0, v50  }
0xe2: {  	v3 =	vor.u32 v3, v4  }
0xe3: {  	v4 =	vperm.xlane v3, v0;
	_ =	sdelay $0x1  }
0xe4: {  	v3 =	vperm.xlane v3, v2;
	v4 =	vadd.s32 v1, v4;
	_ =	sdelay $0x1  }
0xe5: {  	v3 =	vadd.s32 v1, v3;
	_ =	sdelay $0x2  }
0xe6: {  	[tilespmem:s22], [sflag:$0x2] =	stream.indirect_vreg.gather [hbm4b:s1+s3], $0x80, v4, vm0, $0xb8;
	[tilespmem:$0x10200] =	vst v63  }
0xe7: {  	_ = 	snop  }
0xe8: {  	[tilespmem:s24], [sflag:$0x2] =	stream.indirect_vreg.gather [hbm4b:s1+s3], $0x80, v3, vm0, $0xb8;
	[tilespmem:$0x10200] =	vst v63  }
0xe9: {  	v3 =	vld [tilespmem:$0x130];
	_ =	sdelay $0x4  }
0xea: {  	v51 =	vshll.u32 v3, $0x1  }
0xeb: {  	v3 =	vand.u32 $0x7, v3;
	v4 =	vand.u32 $0xFFFFFFF0, v51  }
0xec: {  	v3 =	vor.u32 v3, v4  }
0xed: {  	v4 =	vperm.xlane v3, v0;
	_ =	sdelay $0x1  }
0xee: {  	v3 =	vperm.xlane v3, v2;
	v4 =	vadd.s32 v1, v4;
	_ =	sdelay $0x1  }
0xef: {  	v3 =	vadd.s32 v1, v3;
	_ =	sdelay $0x2  }
0xf0: {  	[tilespmem:s25], [sflag:$0x2] =	stream.indirect_vreg.gather [hbm4b:s1+s3], $0x80, v4, vm0, $0xb8;
	[tilespmem:$0x10200] =	vst v63  }
0xf1: {  	_ = 	snop  }
0xf2: {  	[tilespmem:s26], [sflag:$0x2] =	stream.indirect_vreg.gather [hbm4b:s1+s3], $0x80, v3, vm0, $0xb8;
	[tilespmem:$0x10200] =	vst v63  }
0xf3: {  	v3 =	vld [tilespmem:$0x140];
	_ =	sdelay $0x4  }
0xf4: {  	v52 =	vshll.u32 v3, $0x1  }
0xf5: {  	v3 =	vand.u32 $0x7, v3;
	v4 =	vand.u32 $0xFFFFFFF0, v52  }
0xf6: {  	v3 =	vor.u32 v3, v4  }
0xf7: {  	v4 =	vperm.xlane v3, v0;
	_ =	sdelay $0x1  }
0xf8: {  	v3 =	vperm.xlane v3, v2;
	v4 =	vadd.s32 v1, v4;
	_ =	sdelay $0x1  }
0xf9: {  	v3 =	vadd.s32 v1, v3;
	_ =	sdelay $0x2  }
0xfa: {  	[tilespmem:s28], [sflag:$0x2] =	stream.indirect_vreg.gather [hbm4b:s1+s3], $0x80, v4, vm0, $0xb8;
	[tilespmem:$0x10200] =	vst v63  }
0xfb: {  	_ = 	snop  }
0xfc: {  	[tilespmem:s29], [sflag:$0x2] =	stream.indirect_vreg.gather [hbm4b:s1+s3], $0x80, v3, vm0, $0xb8;
	[tilespmem:$0x10200] =	vst v63  }
0xfd: {  	v3 =	vld [tilespmem:$0x150];
	_ =	sdelay $0x4  }
0xfe: {  	v53 =	vshll.u32 v3, $0x1  }
0xff: {  	v3 =	vand.u32 $0x7, v3;
	v4 =	vand.u32 $0xFFFFFFF0, v53  }
0x100: {  	v3 =	vor.u32 v3, v4  }
0x101: {  	v4 =	vperm.xlane v3, v0;
	_ =	sdelay $0x1  }
0x102: {  	v3 =	vperm.xlane v3, v2;
	v4 =	vadd.s32 v1, v4;
	_ =	sdelay $0x1  }
0x103: {  	v3 =	vadd.s32 v1, v3;
	_ =	sdelay $0x2  }
0x104: {  	[tilespmem:s30], [sflag:$0x2] =	stream.indirect_vreg.gather [hbm4b:s1+s3], $0x80, v4, vm0, $0xb8;
	[tilespmem:$0x10200] =	vst v63  }
0x105: {  	_ = 	snop  }
0x106: {  	[tilespmem:s31], [sflag:$0x2] =	stream.indirect_vreg.gather [hbm4b:s1+s3], $0x80, v3, vm0, $0xb8;
	[tilespmem:$0x10200] =	vst v63  }
0x107: {  	v3 =	vld [tilespmem:$0x160];
	_ =	sdelay $0x4  }
0x108: {  	v54 =	vshll.u32 v3, $0x1  }
0x109: {  	v3 =	vand.u32 $0x7, v3;
	v4 =	vand.u32 $0xFFFFFFF0, v54  }
0x10a: {  	v3 =	vor.u32 v3, v4  }
0x10b: {  	v4 =	vperm.xlane v3, v0;
	_ =	sdelay $0x1  }
0x10c: {  	v3 =	vperm.xlane v3, v2;
	v4 =	vadd.s32 v1, v4;
	_ =	sdelay $0x1  }
0x10d: {  	v3 =	vadd.s32 v1, v3;
	_ =	sdelay $0x2  }
0x10e: {  	[tilespmem:s2], [sflag:$0x2] =	stream.indirect_vreg.gather [hbm4b:s1+s3], $0x80, v4, vm0, $0xb8;
	[tilespmem:$0x10200] =	vst v63  }
0x10f: {  	_ = 	snop  }
0x110: {  	[tilespmem:s4], [sflag:$0x2] =	stream.indirect_vreg.gather [hbm4b:s1+s3], $0x80, v3, vm0, $0xb8;
	[tilespmem:$0x10200] =	vst v63  }
0x111: {  	v3 =	vld [tilespmem:$0x170];
	_ =	sdelay $0x4  }
0x112: {  	v55 =	vshll.u32 v3, $0x1  }
0x113: {  	v3 =	vand.u32 $0x7, v3;
	v4 =	vand.u32 $0xFFFFFFF0, v55  }
0x114: {  	v3 =	vor.u32 v3, v4  }
0x115: {  	v4 =	vperm.xlane v3, v0;
	_ =	sdelay $0x1  }
0x116: {  	v3 =	vperm.xlane v3, v2;
	v4 =	vadd.s32 v1, v4;
	_ =	sdelay $0x1  }
0x117: {  	v3 =	vadd.s32 v1, v3;
	_ =	sdelay $0x2  }
0x118: {  	[tilespmem:s8], [sflag:$0x2] =	stream.indirect_vreg.gather [hbm4b:s1+s3], $0x80, v4, vm0, $0xb8;
	[tilespmem:$0x10200] =	vst v63  }
0x119: {  	_ = 	snop  }
0x11a: {  	[tilespmem:s9], [sflag:$0x2] =	stream.indirect_vreg.gather [hbm4b:s1+s3], $0x80, v3, vm0, $0xb8;
	[tilespmem:$0x10200] =	vst v63  }
0x11b: {  	_ =	swait.ge [sflag:s17], $0x8000  }
0x11c: {  	[sflag:s17] =	ssyncset.done $0x0  }
0x11d: {  	[sflag:s17] =	ssyncadd.s32 $0xFFFF8000  }
0x11e: {  	v3 =	vld [tilespmem:$0x180];
	_ =	sdelay $0x4  }
0x11f: {  	v56 =	vshll.u32 v3, $0x1  }
0x120: {  	v3 =	vand.u32 $0x7, v3;
	v4 =	vand.u32 $0xFFFFFFF0, v56  }
0x121: {  	v3 =	vor.u32 v3, v4  }
0x122: {  	v4 =	vperm.xlane v3, v0;
	_ =	sdelay $0x1  }
0x123: {  	v3 =	vperm.xlane v3, v2;
	v4 =	vadd.s32 v1, v4;
	_ =	sdelay $0x1  }
0x124: {  	v3 =	vadd.s32 v1, v3;
	_ =	sdelay $0x2  }
0x125: {  	[tilespmem:s0], [sflag:$0x3] =	stream.indirect_vreg.gather [hbm4b:s1+s3], $0x80, v4, vm0, $0xb8;
	[tilespmem:$0x10200] =	vst v63  }
0x126: {  	_ = 	snop  }
0x127: {  	[tilespmem:s10], [sflag:$0x3] =	stream.indirect_vreg.gather [hbm4b:s1+s3], $0x80, v3, vm0, $0xb8;
	[tilespmem:$0x10200] =	vst v63  }
0x128: {  	v3 =	vld [tilespmem:$0x190];
	_ =	sdelay $0x4  }
0x129: {  	v57 =	vshll.u32 v3, $0x1  }
0x12a: {  	v3 =	vand.u32 $0x7, v3;
	v4 =	vand.u32 $0xFFFFFFF0, v57  }
0x12b: {  	v3 =	vor.u32 v3, v4  }
0x12c: {  	v4 =	vperm.xlane v3, v0;
	_ =	sdelay $0x1  }
0x12d: {  	v3 =	vperm.xlane v3, v2;
	v4 =	vadd.s32 v1, v4;
	_ =	sdelay $0x1  }
0x12e: {  	v3 =	vadd.s32 v1, v3;
	_ =	sdelay $0x2  }
0x12f: {  	[tilespmem:s11], [sflag:$0x3] =	stream.indirect_vreg.gather [hbm4b:s1+s3], $0x80, v4, vm0, $0xb8;
	[tilespmem:$0x10200] =	vst v63  }
0x130: {  	_ = 	snop  }
0x131: {  	[tilespmem:s23], [sflag:$0x3] =	stream.indirect_vreg.gather [hbm4b:s1+s3], $0x80, v3, vm0, $0xb8;
	[tilespmem:$0x10200] =	vst v63  }
0x132: {  	v3 =	vld [tilespmem:$0x1A0];
	_ =	sdelay $0x4  }
0x133: {  	v58 =	vshll.u32 v3, $0x1  }
0x134: {  	v3 =	vand.u32 $0x7, v3;
	v4 =	vand.u32 $0xFFFFFFF0, v58  }
0x135: {  	v3 =	vor.u32 v3, v4  }
0x136: {  	v4 =	vperm.xlane v3, v0;
	_ =	sdelay $0x1  }
0x137: {  	v3 =	vperm.xlane v3, v2;
	v4 =	vadd.s32 v1, v4;
	_ =	sdelay $0x1  }
0x138: {  	v3 =	vadd.s32 v1, v3;
	_ =	sdelay $0x2  }
0x139: {  	[tilespmem:s12], [sflag:$0x3] =	stream.indirect_vreg.gather [hbm4b:s1+s3], $0x80, v4, vm0, $0xb8;
	[tilespmem:$0x10200] =	vst v63  }
0x13a: {  	_ = 	snop  }
0x13b: {  	[tilespmem:s13], [sflag:$0x3] =	stream.indirect_vreg.gather [hbm4b:s1+s3], $0x80, v3, vm0, $0xb8;
	[tilespmem:$0x10200] =	vst v63  }
0x13c: {  	v3 =	vld [tilespmem:$0x1B0];
	_ =	sdelay $0x4  }
0x13d: {  	v59 =	vshll.u32 v3, $0x1  }
0x13e: {  	v3 =	vand.u32 $0x7, v3;
	v4 =	vand.u32 $0xFFFFFFF0, v59  }
0x13f: {  	v3 =	vor.u32 v3, v4  }
0x140: {  	v4 =	vperm.xlane v3, v0;
	_ =	sdelay $0x1  }
0x141: {  	v3 =	vperm.xlane v3, v2;
	v4 =	vadd.s32 v1, v4;
	_ =	sdelay $0x1  }
0x142: {  	v3 =	vadd.s32 v1, v3;
	_ =	sdelay $0x1  }
0x143: {  	s18 =	simm.s32 $0xB200  }
0x144: {  	[tilespmem:s18], [sflag:$0x3] =	stream.indirect_vreg.gather [hbm4b:s1+s3], $0x80, v4, vm0, $0xb8;
	[tilespmem:$0x10200] =	vst v63  }
0x145: {  	_ = 	snop  }
0x146: {  	[tilespmem:s7], [sflag:$0x3] =	stream.indirect_vreg.gather [hbm4b:s1+s3], $0x80, v3, vm0, $0xb8;
	[tilespmem:$0x10200] =	vst v63  }
0x147: {  	v3 =	vld [tilespmem:$0x1C0];
	_ =	sdelay $0x4  }
0x148: {  	v60 =	vshll.u32 v3, $0x1  }
0x149: {  	v3 =	vand.u32 $0x7, v3;
	v4 =	vand.u32 $0xFFFFFFF0, v60  }
0x14a: {  	v3 =	vor.u32 v3, v4  }
0x14b: {  	v4 =	vperm.xlane v3, v0;
	_ =	sdelay $0x1  }
0x14c: {  	v3 =	vperm.xlane v3, v2;
	v4 =	vadd.s32 v1, v4;
	_ =	sdelay $0x1  }
0x14d: {  	v3 =	vadd.s32 v1, v3;
	_ =	sdelay $0x1  }
0x14e: {  	s7 =	simm.s32 $0xC200  }
0x14f: {  	[tilespmem:s7], [sflag:$0x3] =	stream.indirect_vreg.gather [hbm4b:s1+s3], $0x80, v4, vm0, $0xb8;
	[tilespmem:$0x10200] =	vst v63  }
0x150: {  	s18 =	simm.s32 $0xCA00  }
0x151: {  	[tilespmem:s18], [sflag:$0x3] =	stream.indirect_vreg.gather [hbm4b:s1+s3], $0x80, v3, vm0, $0xb8;
	[tilespmem:$0x10200] =	vst v63  }
0x152: {  	v3 =	vld [tilespmem:$0x1D0];
	_ =	sdelay $0x4  }
0x153: {  	v61 =	vshll.u32 v3, $0x1  }
0x154: {  	v3 =	vand.u32 $0x7, v3;
	v4 =	vand.u32 $0xFFFFFFF0, v61  }
0x155: {  	v3 =	vor.u32 v3, v4  }
0x156: {  	v4 =	vperm.xlane v3, v0;
	_ =	sdelay $0x1  }
0x157: {  	v3 =	vperm.xlane v3, v2;
	v4 =	vadd.s32 v1, v4;
	_ =	sdelay $0x1  }
0x158: {  	v3 =	vadd.s32 v1, v3;
	_ =	sdelay $0x1  }
0x159: {  	s7 =	simm.s32 $0xD200  }
0x15a: {  	[tilespmem:s7], [sflag:$0x3] =	stream.indirect_vreg.gather [hbm4b:s1+s3], $0x80, v4, vm0, $0xb8;
	[tilespmem:$0x10200] =	vst v63  }
0x15b: {  	s18 =	simm.s32 $0xDA00  }
0x15c: {  	[tilespmem:s18], [sflag:$0x3] =	stream.indirect_vreg.gather [hbm4b:s1+s3], $0x80, v3, vm0, $0xb8;
	[tilespmem:$0x10200] =	vst v63  }
0x15d: {  	v3 =	vld [tilespmem:$0x1E0];
	_ =	sdelay $0x4  }
0x15e: {  	v62 =	vshll.u32 v3, $0x1  }
0x15f: {  	v3 =	vand.u32 $0x7, v3;
	v4 =	vand.u32 $0xFFFFFFF0, v62  }
0x160: {  	v3 =	vor.u32 v3, v4  }
0x161: {  	v4 =	vperm.xlane v3, v0;
	_ =	sdelay $0x1  }
0x162: {  	v3 =	vperm.xlane v3, v2;
	v4 =	vadd.s32 v1, v4;
	_ =	sdelay $0x1  }
0x163: {  	v3 =	vadd.s32 v1, v3;
	_ =	sdelay $0x1  }
0x164: {  	s7 =	simm.s32 $0xE200  }
0x165: {  	[tilespmem:s7], [sflag:$0x3] =	stream.indirect_vreg.gather [hbm4b:s1+s3], $0x80, v4, vm0, $0xb8;
	[tilespmem:$0x10200] =	vst v63  }
0x166: {  	s18 =	simm.s32 $0xEA00  }
0x167: {  	[tilespmem:s18], [sflag:$0x3] =	stream.indirect_vreg.gather [hbm4b:s1+s3], $0x80, v3, vm0, $0xb8;
	[tilespmem:$0x10200] =	vst v63  }
0x168: {  	v3 =	vld [tilespmem:$0x1F0];
	_ =	sdelay $0x4  }
0x169: {  	v63 =	vshll.u32 v3, $0x1  }
0x16a: {  	v3 =	vand.u32 $0x7, v3;
	v4 =	vand.u32 $0xFFFFFFF0, v63  }
0x16b: {  	v3 =	vor.u32 v3, v4  }
0x16c: {  	v4 =	vperm.xlane v3, v0;
	_ =	sdelay $0x1  }
0x16d: {  	v3 =	vperm.xlane v3, v2;
	v4 =	vadd.s32 v1, v4;
	_ =	sdelay $0x1  }
0x16e: {  	v3 =	vadd.s32 v1, v3;
	_ =	sdelay $0x1  }
0x16f: {  	s7 =	simm.s32 $0xF200  }
0x170: {  	[tilespmem:s7], [sflag:$0x3] =	stream.indirect_vreg.gather [hbm4b:s1+s3], $0x80, v4, vm0, $0xb8;
	[tilespmem:$0x10200] =	vst v63  }
0x171: {  	s18 =	simm.s32 $0xFA00  }
0x172: {  	[tilespmem:s18], [sflag:$0x3] =	stream.indirect_vreg.gather [hbm4b:s1+s3], $0x80, v3, vm0, $0xb8;
	[tilespmem:$0x10200] =	vst v63  }
0x173: {  	_ =	swait.ge [sflag:s6], $0x8000  }
0x174: {  	[sflag:s6] =	ssyncset.done $0x0  }
0x175: {  	s14 =	simm.s32 $0x200;
	s7 =	rddreg [dreg:$0x6];
	[sflag:s6] =	ssyncadd.s32 $0xFFFF8000  }
0x176: {  	[hbm4b:s7+s3] =	stream.linear.scatter [tilespmem:s14], [sflag:$0x4], $0x8000, $0x38;
	[tilespmem:$0x10200] =	vst v63  }
0x177: {  	_ =	swait.ge [sflag:s15], $0x8000  }
0x178: {  	[sflag:s15] =	ssyncset.done $0x0  }
0x179: {  	s14 =	rddreg [dreg:$0x7];
	[sflag:s15] =	ssyncadd.s32 $0xFFFF8000  }
0x17a: {  	[hbm4b:s14+s3] =	stream.linear.scatter [tilespmem:s0], [sflag:$0x5], $0x8000, $0x38;
	[tilespmem:$0x10200] =	vst v63  }
0x17b: {  	p0 =	sne.s32 s5, $0x1;
	_ =	swait.ge [sflag:s16], $0x8000  }
.Ltmp0:
0x17c: {  	[sflag:s16] =	ssyncset.done $0x0;
	(pc) =	sbr.rel @p0 .LBB2_1-.Ltmp0, $4  }
0x17d: {  	[sflag:s16] =	ssyncadd.s32 $0xFFFF8000  }
0x17e: {  	_ =	swait.ge [sflag:s17], $0x8000  }
0x17f: {  	[sflag:s17] =	ssyncset.done $0x0  }
0x180: {  	s5 =	sadd.s32 $0xFFFFFFFF, s5;
	[sflag:s17] =	ssyncadd.s32 $0xFFFF8000  }
0x181: {  	_ =	sfence.sel $0x180000  }
0x182: {  	[bflag:$0x0] =	sbarrier.arrive $0xFFFF  }
0x183: {  	_ =	strace $0x90000047  }
0x184: {  	s0 =	stileid.u32;
	[bflag:$0x2] =	sbarrier.arrive $0xFFFF  }
0x185: {  	p0 =	sne.s32 s0, $0x0;
	s0 =	rddreg [dreg:$0x3]  }
0x186: {  	s0 =	sadd.s32 @!p0 $0x100000, s0  }
0x187: {  	[sflag:s0] =	ssyncadd.tile.s32 @!p0 $0x1;
	_ =	shalt  }
.Lfunc_end2:
_tile_overlayer_lowered:
.L_overlay_start_2:
0x188: {  	(tag) =	ssettag $0x2  }
0x189: {  	s0 =	rddreg [dreg:$0x0];
	s2 =	stileid.u32  }
0x18a: {  	s1 =	rddreg [dreg:$0x1];
	p0 =	sne.s32 s2, $0x0  }
0x18b: {  	s3 =	rddreg [dreg:$0x2];
	[bflag:$0x3] =	sbarrier.arrive $0xFFFF;
	s2 =	simm.s32 @!p0 $0x1C06  }
0x18c: {  	[timem:s3], [sflag:s2] =	dma.local @!p0 [hbm:s0], s1  }
0x18d: {  	s0 =	simm.s32 @!p0 $0x6  }
0x18e: {  	_ =	swait.ge @!p0 [sflag:s0], s1  }
0x18f: {  	s1 =	ssub.s32 @!p0 $0x0, s1;
	[sflag:s0] =	ssyncset.done @!p0 $0x0  }
0x190: {  	[sflag:s0] =	ssyncadd.s32 @!p0 s1  }
0x191: {  	[bflag:$0x3] =	sbarrier.arrive $0xFFFF  }
0x192: {  	_ =	shalt  }

</sc_bundles>
